<compile_context>
chip_gen: v7x
topology: tpu7x:2x2x1
jax: 0.10.2.dev20260603
libtpu: 0.0.44.dev20260713+nightly
codegen_flags: <defaults>
</compile_context>

<pallas_src>
import functools

import jax
import jax.numpy as jnp
from jax import lax
from jax.experimental import pallas as pl
from jax.experimental.pallas import tpu as pltpu
from jax.experimental.pallas import tpu_sc as plsc

_TEMP = 2.0 / 3.0
_LIMIT_A = -0.1
_LIMIT_B = 1.1
_K = 256

_NC = 2
_NS = 16
_NW = _NC * _NS
_L = 16

_ROWS = 128
_COLS = 32768
_RPW = _ROWS // _NW
_NV = _COLS // _L

_TC_BITS = 12
_SC_BITS = 30 - _TC_BITS
_BUCKET = 1 << _SC_BITS


def _rowsum(v):
    n = v.shape[1]
    c = n // 4
    p = [
        jnp.sum(v[:, i * c:(i + 1) * c].astype(jnp.int32), axis=1,
                keepdims=True)
        for i in range(4)
    ]
    return (p[0] + p[1]) + (p[2] + p[3])


def _zs_kernel(x_ref, kz_ref, s_ref, tb_ref, k2_ref):
    xb = x_ref[...]
    rows, _ = xb.shape
    u = (xb + 1.0) * (1.0 / _TEMP)
    z = jax.nn.sigmoid(u)
    r = z * (_LIMIT_B - _LIMIT_A) + _LIMIT_A
    s_ref[...] = jnp.clip(r, 0.0, 1.0)
    key = jax.lax.bitcast_convert_type(z, jnp.int32)
    kz_ref[...] = key

    p = jnp.zeros((rows, 1), dtype=jnp.int32)

    def body(i, carry):
        p, step = carry
        cand = p + step
        cnt = _rowsum(key >= cand)
        return jnp.where(cnt >= _K, cand, p), step >> 1

    p, _ = jax.lax.fori_loop(0, _TC_BITS, body, (p, jnp.int32(1 << 29)))
    above = _rowsum(key >= p + _BUCKET)
    tb_ref[...] = p
    k2_ref[...] = _K - above


def _sc_select_body(kz_hbm, tbk_hbm, t_hbm, i_hbm, row_v, ck_v, cc_v, io_v):
    wid = lax.axis_index("s") * _NC + lax.axis_index("c")
    lane = lax.iota(jnp.int32, _L)

    pltpu.sync_copy(tbk_hbm.at[wid], io_v)
    params = io_v[...]

    def row_body(j, carry):
        tvec, ivec = carry
        r = wid * _RPW + j
        pltpu.sync_copy(kz_hbm.at[r], row_v)
        tb = jnp.max(jnp.where(lane == j, params, 0))
        k2 = jnp.max(jnp.where(lane == j + _RPW, params, 0))

        unroll = 8

        tbs = tb >> _SC_BITS
        zeros = jnp.zeros((_L,), jnp.int32)

        def cbody(i, off):
            base = i * (_L * unroll)
            for u in range(unroll):
                v = row_v[pl.ds(base + u * _L, _L)]
                m = (v >> _SC_BITS) == tbs
                pc = plsc.cumsum(jnp.where(m, 1, 0).astype(jnp.int32))
                idx = off + pc - 1
                plsc.store_scatter(ck_v, [idx], v, mask=m)
                plsc.store_scatter(cc_v, [idx], base + u * _L + lane, mask=m)
                off = off + plsc.all_reduce_population_count(m)
            return off

        off = lax.fori_loop(0, _NV // unroll, cbody, zeros)
        c1 = jnp.max(off)
        plsc.store_scatter(ck_v, [c1 + lane], jnp.full((_L,), -1, jnp.int32))
        nch = (c1 + _L - 1) >> 4

        k2v = jnp.broadcast_to(k2, (_L,))

        def count_ge(candv):
            def body(i, acc):
                v = ck_v[pl.ds(i * _L, _L)]
                return acc + plsc.all_reduce_population_count(v >= candv)
            return lax.fori_loop(0, nch, body, zeros)

        def bis(b, carry):
            p, step = carry
            cand = p + step
            return jnp.where(count_ge(cand) >= k2v, cand, p), step >> 1

        (t, _) = lax.fori_loop(
            0, _SC_BITS, bis,
            (jnp.broadcast_to(tb, (_L,)), jnp.int32(1 << (_SC_BITS - 1))))
        m = k2v - count_ge(t + 1)

        def tie_body(i, carry):
            cvec, acc = carry
            v = ck_v[pl.ds(i * _L, _L)]
            cols = cc_v[pl.ds(i * _L, _L)]
            tie = v == t
            pc = plsc.cumsum(jnp.where(tie, 1, 0).astype(jnp.int32))
            tot = plsc.all_reduce_population_count(tie)
            sel = tie & ((cvec + pc) == m)
            acc = acc + jnp.where(sel, cols, 0).astype(jnp.int32)
            return cvec + tot, acc

        zeros = jnp.zeros((_L,), jnp.int32)
        _, acc = lax.fori_loop(0, nch, tie_body, (zeros, zeros))
        istar = jnp.max(acc)

        tvec = jnp.where(lane == j, t, tvec)
        ivec = jnp.where(lane == j, istar, ivec)
        return tvec, ivec

    zeros = jnp.zeros((_L,), jnp.int32)
    tvec, ivec = lax.fori_loop(0, _RPW, row_body, (zeros, zeros))
    io_v[...] = tvec
    pltpu.sync_copy(io_v, t_hbm.at[wid])
    io_v[...] = ivec
    pltpu.sync_copy(io_v, i_hbm.at[wid])


_sc_select = functools.partial(
    pl.kernel,
    out_type=[
        jax.ShapeDtypeStruct((_NW, _L), jnp.int32),
        jax.ShapeDtypeStruct((_NW, _L), jnp.int32),
    ],
    mesh=plsc.VectorSubcoreMesh(core_axis_name="c", subcore_axis_name="s",
                                num_cores=_NC, num_subcores=_NS),
    compiler_params=pltpu.CompilerParams(needs_layout_passes=False),
    scratch_types=[
        pltpu.VMEM((_COLS,), jnp.int32),
        pltpu.VMEM((_COLS + _L,), jnp.int32),
        pltpu.VMEM((_COLS + _L,), jnp.int32),
        pltpu.VMEM((_L,), jnp.int32),
    ],
)(_sc_select_body)


def _mask_kernel(kz_ref, t_ref, i_ref, mask_ref):
    kz = kz_ref[...]
    rows, cols = kz.shape
    t = t_ref[...]
    istar = i_ref[...]
    col = jax.lax.broadcasted_iota(jnp.int32, (rows, cols), 1)
    sel = (kz > t) | ((kz == t) & (col <= istar))
    mask_ref[...] = sel.astype(jnp.float32)


def kernel(x):
    n_rows, n_cols = x.shape
    block_rows = 32
    grid = (n_rows // block_rows,)
    blk = pl.BlockSpec((block_rows, n_cols), lambda i: (i, 0))
    sblk = pl.BlockSpec((block_rows, 1), lambda i: (i, 0))

    kz, s, tb, k2 = pl.pallas_call(
        _zs_kernel,
        grid=grid,
        in_specs=[blk],
        out_specs=(blk, blk, sblk, sblk),
        out_shape=(
            jax.ShapeDtypeStruct((n_rows, n_cols), jnp.int32),
            jax.ShapeDtypeStruct((n_rows, n_cols), jnp.float32),
            jax.ShapeDtypeStruct((n_rows, 1), jnp.int32),
            jax.ShapeDtypeStruct((n_rows, 1), jnp.int32),
        ),
    )(x)

    tbk = jnp.concatenate(
        [tb.reshape(_NW, _RPW), k2.reshape(_NW, _RPW),
         jnp.zeros((_NW, _L - 2 * _RPW), jnp.int32)], axis=1)

    t_w, i_w = _sc_select(kz, tbk)
    t = t_w[:, :_RPW].reshape(n_rows, 1)
    istar = i_w[:, :_RPW].reshape(n_rows, 1)

    mask = pl.pallas_call(
        _mask_kernel,
        grid=grid,
        in_specs=[blk, sblk, sblk],
        out_specs=blk,
        out_shape=jax.ShapeDtypeStruct((n_rows, n_cols), jnp.float32),
    )(kz, t, istar)
    return (mask, s)

# --- scband reference (transcript-rebuilt; emitter-appended) ---
"""Pipeline reference for scband-dynamic-data-selection-hard2-34548716929149 (READ-ONLY COPY).

The authoritative reference and input builder live on the scoring server;
editing this copy changes nothing except your own understanding.
"""

import jax, jax.numpy as jnp
import numpy as np

TEMP = 2.0 / 3.0
LIMIT_A = -0.1
LIMIT_B = 1.1
K = 256


def setup_inputs(seed: int = 0) -> dict:
    key = jax.random.key(seed)
    x = jax.random.normal(key, (128, 32768), dtype=jnp.float32)
    return {"x": x}


def reference(x):
    # eval-mode (sample=False) path of DynamicDataSelectionHard2.forward
    # x is 2D so no flatten needed (start_dim=1)
    u = x + 1.0
    z = jax.nn.sigmoid(u / TEMP)
    # top-k mask along last dim (largest=True)
    _, idx = jax.lax.top_k(z, K)
    mask = jnp.zeros(z.shape, dtype=z.dtype)
    rows = jnp.arange(z.shape[0])[:, None]
    mask = mask.at[rows, idx].set(1.0)
    # s = hardtanh(z * (limit_b - limit_a) + limit_a, 0, 1)
    r = z * (LIMIT_B - LIMIT_A) + LIMIT_A
    s = jnp.clip(r, 0.0, 1.0)
    return (mask, s)

if __name__ == "__main__":
    import jax
    _d = setup_inputs()
    print(jax.jit(kernel)(*tuple(_d.values())))

</pallas_src>

<mosaic_0001>
#map = affine_map<(d0, d1) -> (0, 0)>
module attributes {stable_mosaic.version = 14 : i64} {
  func.func @_sc_select_body(%arg0: i32, %arg1: i32, %arg2: memref<128x32768xi32, #tpu.memory_space<hbm>>, %arg3: memref<32x16xi32, #tpu.memory_space<hbm>>, %arg4: memref<32x16xi32, #tpu.memory_space<hbm>>, %arg5: memref<32x16xi32, #tpu.memory_space<hbm>>, %arg6: memref<32768xi32, #tpu.memory_space<vmem>>, %arg7: memref<32784xi32, #tpu.memory_space<vmem>>, %arg8: memref<32784xi32, #tpu.memory_space<vmem>>, %arg9: memref<16xi32, #tpu.memory_space<vmem>>) attributes {dimension_semantics = [#tpu.dimension_semantics<core_parallel>, #tpu.dimension_semantics<subcore_parallel>], iteration_bounds = array<i64: 2, 16>, scalar_prefetch = 0 : i64, scratch_operands = 4 : i64, tpu.core_type = #tpu.core_type<sc_vector_subcore>, window_params = [{transform_indices = #map}, {transform_indices = #map}, {transform_indices = #map}, {transform_indices = #map}]} {
    %mul3A = arith.constant 2 : i32
    %mul3A_0 = arith.muli %arg1, %mul3A : i32
    %add3A = arith.addi %mul3A_0, %arg0 : i32
    %iota3A = tpu.iota {dimensions = array<i32: 0>} : vector<16xi32>
    "tpu.region"() ({
      %run_scoped3A = tpu.sem_alloc : memref<!tpu.dma_semaphore, #tpu.memory_space<semaphore_mem>>
      %dma_start3A = arith.constant 0 : i32
      %dma_start3A_11 = tpu.memref_slice %arg3[%add3A, %dma_start3A] : memref<32x16xi32, #tpu.memory_space<hbm>> -> memref<1x16xi32, #tpu.memory_space<hbm>>
      %dma_start3A_12 = tpu.memref_squeeze %dma_start3A_11 : memref<1x16xi32, #tpu.memory_space<hbm>> -> memref<16xi32, #tpu.memory_space<hbm>>
      %dma_start3A_13 = arith.constant 0 : i32
      %dma_start3A_14 = tpu.memref_slice %arg3[%add3A, %dma_start3A_13] : memref<32x16xi32, #tpu.memory_space<hbm>> -> memref<1x16xi32, #tpu.memory_space<hbm>>
      %dma_start3A_15 = tpu.memref_squeeze %dma_start3A_14 : memref<1x16xi32, #tpu.memory_space<hbm>> -> memref<16xi32, #tpu.memory_space<hbm>>
      tpu.enqueue_dma source(%dma_start3A_15 : memref<16xi32, #tpu.memory_space<hbm>>) target(%arg9 : memref<16xi32, #tpu.memory_space<vmem>>) target_semaphore(%run_scoped3A : memref<!tpu.dma_semaphore, #tpu.memory_space<semaphore_mem>>)
      %dma_wait3A = arith.constant 0 : i32
      %dma_wait3A_16 = tpu.memref_slice %arg3[%add3A, %dma_wait3A] : memref<32x16xi32, #tpu.memory_space<hbm>> -> memref<1x16xi32, #tpu.memory_space<hbm>>
      %dma_wait3A_17 = tpu.memref_squeeze %dma_wait3A_16 : memref<1x16xi32, #tpu.memory_space<hbm>> -> memref<16xi32, #tpu.memory_space<hbm>>
      %dma_wait3A_18 = arith.constant 0 : i32
      %dma_wait3A_19 = tpu.memref_slice %arg3[%add3A, %dma_wait3A_18] : memref<32x16xi32, #tpu.memory_space<hbm>> -> memref<1x16xi32, #tpu.memory_space<hbm>>
      %dma_wait3A_20 = tpu.memref_squeeze %dma_wait3A_19 : memref<1x16xi32, #tpu.memory_space<hbm>> -> memref<16xi32, #tpu.memory_space<hbm>>
      tpu.wait_dma2 semaphore(%run_scoped3A : memref<!tpu.dma_semaphore, #tpu.memory_space<semaphore_mem>>) src(%dma_wait3A_20 : memref<16xi32, #tpu.memory_space<hbm>>) dst(%arg9 : memref<16xi32, #tpu.memory_space<vmem>>)
      tpu.yield
    }) : () -> ()
    %get3A = arith.constant 0 : index
    %get3A_1 = tpu.vector_load %arg9[%get3A] {strides = array<i32>} : memref<16xi32, #tpu.memory_space<vmem>>, vector<16xi32>,
    %broadcast_in_dim3A = arith.constant 0 : i32
    %broadcast_in_dim3A_2 = vector.broadcast %broadcast_in_dim3A : i32 to vector<16xi32>
    %scan3A = arith.constant 0 : i32
    %scan3A_3 = arith.constant 4 : i32
    %scan3A_4 = arith.addi %scan3A, %scan3A_3 : i32
    %scan3A_5 = arith.constant 1 : i32
    %scan3A_6:2 = scf.for %scan3A_11 = %scan3A to %scan3A_4 step %scan3A_5 iter_args(%scan3A_12 = %broadcast_in_dim3A_2, %scan3A_13 = %broadcast_in_dim3A_2) -> (vector<16xi32>, vector<16xi32>)  : i32 {
      %mul3A_14 = arith.constant 4 : i32
      %mul3A_15 = arith.muli %add3A, %mul3A_14 : i32
      %add3A_16 = arith.addi %mul3A_15, %scan3A_11 : i32
      "tpu.region"() ({
        %run_scoped3A = tpu.sem_alloc : memref<!tpu.dma_semaphore, #tpu.memory_space<semaphore_mem>>
        %dma_start3A = arith.constant 0 : i32
        %dma_start3A_118 = tpu.memref_slice %arg2[%add3A_16, %dma_start3A] : memref<128x32768xi32, #tpu.memory_space<hbm>> -> memref<1x32768xi32, #tpu.memory_space<hbm>>
        %dma_start3A_119 = tpu.memref_squeeze %dma_start3A_118 : memref<1x32768xi32, #tpu.memory_space<hbm>> -> memref<32768xi32, #tpu.memory_space<hbm>>
        %dma_start3A_120 = arith.constant 0 : i32
        %dma_start3A_121 = tpu.memref_slice %arg2[%add3A_16, %dma_start3A_120] : memref<128x32768xi32, #tpu.memory_space<hbm>> -> memref<1x32768xi32, #tpu.memory_space<hbm>>
        %dma_start3A_122 = tpu.memref_squeeze %dma_start3A_121 : memref<1x32768xi32, #tpu.memory_space<hbm>> -> memref<32768xi32, #tpu.memory_space<hbm>>
        tpu.enqueue_dma source(%dma_start3A_122 : memref<32768xi32, #tpu.memory_space<hbm>>) target(%arg6 : memref<32768xi32, #tpu.memory_space<vmem>>) target_semaphore(%run_scoped3A : memref<!tpu.dma_semaphore, #tpu.memory_space<semaphore_mem>>)
        %dma_wait3A = arith.constant 0 : i32
        %dma_wait3A_123 = tpu.memref_slice %arg2[%add3A_16, %dma_wait3A] : memref<128x32768xi32, #tpu.memory_space<hbm>> -> memref<1x32768xi32, #tpu.memory_space<hbm>>
        %dma_wait3A_124 = tpu.memref_squeeze %dma_wait3A_123 : memref<1x32768xi32, #tpu.memory_space<hbm>> -> memref<32768xi32, #tpu.memory_space<hbm>>
        %dma_wait3A_125 = arith.constant 0 : i32
        %dma_wait3A_126 = tpu.memref_slice %arg2[%add3A_16, %dma_wait3A_125] : memref<128x32768xi32, #tpu.memory_space<hbm>> -> memref<1x32768xi32, #tpu.memory_space<hbm>>
        %dma_wait3A_127 = tpu.memref_squeeze %dma_wait3A_126 : memref<1x32768xi32, #tpu.memory_space<hbm>> -> memref<32768xi32, #tpu.memory_space<hbm>>
        tpu.wait_dma2 semaphore(%run_scoped3A : memref<!tpu.dma_semaphore, #tpu.memory_space<semaphore_mem>>) src(%dma_wait3A_127 : memref<32768xi32, #tpu.memory_space<hbm>>) dst(%arg6 : memref<32768xi32, #tpu.memory_space<vmem>>)
        tpu.yield
      }) : () -> ()
      %eq3A = vector.broadcast %scan3A_11 : i32 to vector<16xi32>
      %eq3A_17 = arith.cmpi eq, %iota3A, %eq3A : vector<16xi32>
      %jit3A = arith.constant 0 : i32
      %broadcast_in_dim3A_18 = vector.broadcast %jit3A : i32 to vector<16xi32>
      %select_n3A = arith.select %eq3A_17, %get3A_1, %broadcast_in_dim3A_18 : vector<16xi1>, vector<16xi32>
      %reduce_max3A = arith.constant true
      %reduce_max3A_19 = vector.broadcast %reduce_max3A : i1 to vector<16xi1>
      %reduce_max3A_20 = arith.constant -2147483648 : i32
      %reduce_max3A_21 = vector.broadcast %reduce_max3A_20 : i32 to vector<16xi32>
      %reduce_max3A_22 = arith.xori %select_n3A, %reduce_max3A_21 : vector<16xi32>
      %reduce_max3A_23 = tpu.scan <max>, %reduce_max3A_22 masked %reduce_max3A_19 : vector<16xi32>, vector<16xi1> -> vector<16xi32>
      %reduce_max3A_24 = arith.xori %reduce_max3A_23, %reduce_max3A_21 : vector<16xi32>
      %reduce_max3A_25 = vector.extract %reduce_max3A_24[15] : i32 from vector<16xi32>
      %add3A_26 = arith.constant 4 : i32
      %add3A_27 = arith.addi %scan3A_11, %add3A_26 : i32
      %eq3A_28 = vector.broadcast %add3A_27 : i32 to vector<16xi32>
      %eq3A_29 = arith.cmpi eq, %iota3A, %eq3A_28 : vector<16xi32>
      %jit3A_30 = arith.constant 0 : i32
      %broadcast_in_dim3A_31 = vector.broadcast %jit3A_30 : i32 to vector<16xi32>
      %select_n3A_32 = arith.select %eq3A_29, %get3A_1, %broadcast_in_dim3A_31 : vector<16xi1>, vector<16xi32>
      %reduce_max3A_33 = arith.constant true
      %reduce_max3A_34 = vector.broadcast %reduce_max3A_33 : i1 to vector<16xi1>
      %reduce_max3A_35 = arith.constant -2147483648 : i32
      %reduce_max3A_36 = vector.broadcast %reduce_max3A_35 : i32 to vector<16xi32>
      %reduce_max3A_37 = arith.xori %select_n3A_32, %reduce_max3A_36 : vector<16xi32>
      %reduce_max3A_38 = tpu.scan <max>, %reduce_max3A_37 masked %reduce_max3A_34 : vector<16xi32>, vector<16xi1> -> vector<16xi32>
      %reduce_max3A_39 = arith.xori %reduce_max3A_38, %reduce_max3A_36 : vector<16xi32>
      %reduce_max3A_40 = vector.extract %reduce_max3A_39[15] : i32 from vector<16xi32>
      %shift_right_arithmetic3A = arith.constant 18 : i32
      %shift_right_arithmetic3A_41 = arith.shrsi %reduce_max3A_25, %shift_right_arithmetic3A : i32
      %broadcast_in_dim3A_42 = arith.constant 0 : i32
      %broadcast_in_dim3A_43 = vector.broadcast %broadcast_in_dim3A_42 : i32 to vector<16xi32>
      %scan3A_44 = arith.constant 0 : i32
      %scan3A_45 = arith.constant 256 : i32
      %scan3A_46 = arith.addi %scan3A_44, %scan3A_45 : i32
      %scan3A_47 = arith.constant 1 : i32
      %scan3A_48 = scf.for %scan3A_118 = %scan3A_44 to %scan3A_46 step %scan3A_47 iter_args(%scan3A_119 = %broadcast_in_dim3A_43) -> (vector<16xi32>)  : i32 {
        %mul3A_120 = arith.constant 128 : i32
        %mul3A_121 = arith.muli %scan3A_118, %mul3A_120 : i32
        %add3A_122 = arith.constant 0 : i32
        %add3A_123 = arith.addi %mul3A_121, %add3A_122 : i32
        %get3A_124 = arith.index_cast %add3A_123 : i32 to index
        %get3A_125 = tpu.vector_load %arg6[%get3A_124] {strides = array<i32>} : memref<32768xi32, #tpu.memory_space<vmem>>, vector<16xi32>,
        %shift_right_arithmetic3A_126 = arith.constant 18 : i32
        %shift_right_arithmetic3A_127 = vector.broadcast %shift_right_arithmetic3A_126 : i32 to vector<16xi32>
        %shift_right_arithmetic3A_128 = arith.shrsi %get3A_125, %shift_right_arithmetic3A_127 : vector<16xi32>
        %eq3A_129 = vector.broadcast %shift_right_arithmetic3A_41 : i32 to vector<16xi32>
        %eq3A_130 = arith.cmpi eq, %shift_right_arithmetic3A_128, %eq3A_129 : vector<16xi32>
        %jit3A_131 = arith.constant 1 : i32
        %jit3A_132 = arith.constant 0 : i32
        %broadcast_in_dim3A_133 = vector.broadcast %jit3A_131 : i32 to vector<16xi32>
        %broadcast_in_dim3A_134 = vector.broadcast %jit3A_132 : i32 to vector<16xi32>
        %select_n3A_135 = arith.select %eq3A_130, %broadcast_in_dim3A_133, %broadcast_in_dim3A_134 : vector<16xi1>, vector<16xi32>
        %broadcast_in_dim3A_136 = arith.constant true
        %broadcast_in_dim3A_137 = vector.broadcast %broadcast_in_dim3A_136 : i1 to vector<16xi1>
        %masked_cumsum3A = tpu.scan <sum>, %select_n3A_135 masked %broadcast_in_dim3A_137 : vector<16xi32>, vector<16xi1> -> vector<16xi32>
        %add3A_138 = arith.addi %scan3A_119, %masked_cumsum3A : vector<16xi32>
        %sub3A_139 = arith.constant 1 : i32
        %sub3A_140 = vector.broadcast %sub3A_139 : i32 to vector<16xi32>
        %sub3A_141 = arith.subi %add3A_138, %sub3A_140 : vector<16xi32>
        tpu.vector_store_idx %arg7[%sub3A_141], %get3A_125 masked %eq3A_130 : memref<32784xi32, #tpu.memory_space<vmem>>[vector<16xi32>], vector<16xi32>, vector<16xi1>
        %add3A_142 = arith.constant 0 : i32
        %add3A_143 = arith.addi %mul3A_121, %add3A_142 : i32
        %add3A_144 = vector.broadcast %add3A_143 : i32 to vector<16xi32>
        %add3A_145 = arith.addi %add3A_144, %iota3A : vector<16xi32>
        tpu.vector_store_idx %arg8[%sub3A_141], %add3A_145 masked %eq3A_130 : memref<32784xi32, #tpu.memory_space<vmem>>[vector<16xi32>], vector<16xi32>, vector<16xi1>
        %all_reduce_population_count3A = tpu.all_reduce %eq3A_130 {dim = 0 : i64, kind = #tpu.reduction_kind<sum>} : vector<16xi1> -> vector<16xi32>
        %add3A_146 = arith.addi %scan3A_119, %all_reduce_population_count3A : vector<16xi32>
        %add3A_147 = arith.constant 16 : i32
        %add3A_148 = arith.addi %mul3A_121, %add3A_147 : i32
        %get3A_149 = arith.index_cast %add3A_148 : i32 to index
        %get3A_150 = tpu.vector_load %arg6[%get3A_149] {strides = array<i32>} : memref<32768xi32, #tpu.memory_space<vmem>>, vector<16xi32>,
        %shift_right_arithmetic3A_151 = arith.constant 18 : i32
        %shift_right_arithmetic3A_152 = vector.broadcast %shift_right_arithmetic3A_151 : i32 to vector<16xi32>
        %shift_right_arithmetic3A_153 = arith.shrsi %get3A_150, %shift_right_arithmetic3A_152 : vector<16xi32>
        %eq3A_154 = vector.broadcast %shift_right_arithmetic3A_41 : i32 to vector<16xi32>
        %eq3A_155 = arith.cmpi eq, %shift_right_arithmetic3A_153, %eq3A_154 : vector<16xi32>
        %jit3A_156 = arith.constant 1 : i32
        %jit3A_157 = arith.constant 0 : i32
        %broadcast_in_dim3A_158 = vector.broadcast %jit3A_156 : i32 to vector<16xi32>
        %broadcast_in_dim3A_159 = vector.broadcast %jit3A_157 : i32 to vector<16xi32>
        %select_n3A_160 = arith.select %eq3A_155, %broadcast_in_dim3A_158, %broadcast_in_dim3A_159 : vector<16xi1>, vector<16xi32>
        %broadcast_in_dim3A_161 = arith.constant true
        %broadcast_in_dim3A_162 = vector.broadcast %broadcast_in_dim3A_161 : i1 to vector<16xi1>
        %masked_cumsum3A_163 = tpu.scan <sum>, %select_n3A_160 masked %broadcast_in_dim3A_162 : vector<16xi32>, vector<16xi1> -> vector<16xi32>
        %add3A_164 = arith.addi %add3A_146, %masked_cumsum3A_163 : vector<16xi32>
        %sub3A_165 = arith.constant 1 : i32
        %sub3A_166 = vector.broadcast %sub3A_165 : i32 to vector<16xi32>
        %sub3A_167 = arith.subi %add3A_164, %sub3A_166 : vector<16xi32>
        tpu.vector_store_idx %arg7[%sub3A_167], %get3A_150 masked %eq3A_155 : memref<32784xi32, #tpu.memory_space<vmem>>[vector<16xi32>], vector<16xi32>, vector<16xi1>
        %add3A_168 = arith.constant 16 : i32
        %add3A_169 = arith.addi %mul3A_121, %add3A_168 : i32
        %add3A_170 = vector.broadcast %add3A_169 : i32 to vector<16xi32>
        %add3A_171 = arith.addi %add3A_170, %iota3A : vector<16xi32>
        tpu.vector_store_idx %arg8[%sub3A_167], %add3A_171 masked %eq3A_155 : memref<32784xi32, #tpu.memory_space<vmem>>[vector<16xi32>], vector<16xi32>, vector<16xi1>
        %all_reduce_population_count3A_172 = tpu.all_reduce %eq3A_155 {dim = 0 : i64, kind = #tpu.reduction_kind<sum>} : vector<16xi1> -> vector<16xi32>
        %add3A_173 = arith.addi %add3A_146, %all_reduce_population_count3A_172 : vector<16xi32>
        %add3A_174 = arith.constant 32 : i32
        %add3A_175 = arith.addi %mul3A_121, %add3A_174 : i32
        %get3A_176 = arith.index_cast %add3A_175 : i32 to index
        %get3A_177 = tpu.vector_load %arg6[%get3A_176] {strides = array<i32>} : memref<32768xi32, #tpu.memory_space<vmem>>, vector<16xi32>,
        %shift_right_arithmetic3A_178 = arith.constant 18 : i32
        %shift_right_arithmetic3A_179 = vector.broadcast %shift_right_arithmetic3A_178 : i32 to vector<16xi32>
        %shift_right_arithmetic3A_180 = arith.shrsi %get3A_177, %shift_right_arithmetic3A_179 : vector<16xi32>
        %eq3A_181 = vector.broadcast %shift_right_arithmetic3A_41 : i32 to vector<16xi32>
        %eq3A_182 = arith.cmpi eq, %shift_right_arithmetic3A_180, %eq3A_181 : vector<16xi32>
        %jit3A_183 = arith.constant 1 : i32
        %jit3A_184 = arith.constant 0 : i32
        %broadcast_in_dim3A_185 = vector.broadcast %jit3A_183 : i32 to vector<16xi32>
        %broadcast_in_dim3A_186 = vector.broadcast %jit3A_184 : i32 to vector<16xi32>
        %select_n3A_187 = arith.select %eq3A_182, %broadcast_in_dim3A_185, %broadcast_in_dim3A_186 : vector<16xi1>, vector<16xi32>
        %broadcast_in_dim3A_188 = arith.constant true
        %broadcast_in_dim3A_189 = vector.broadcast %broadcast_in_dim3A_188 : i1 to vector<16xi1>
        %masked_cumsum3A_190 = tpu.scan <sum>, %select_n3A_187 masked %broadcast_in_dim3A_189 : vector<16xi32>, vector<16xi1> -> vector<16xi32>
        %add3A_191 = arith.addi %add3A_173, %masked_cumsum3A_190 : vector<16xi32>
        %sub3A_192 = arith.constant 1 : i32
        %sub3A_193 = vector.broadcast %sub3A_192 : i32 to vector<16xi32>
        %sub3A_194 = arith.subi %add3A_191, %sub3A_193 : vector<16xi32>
        tpu.vector_store_idx %arg7[%sub3A_194], %get3A_177 masked %eq3A_182 : memref<32784xi32, #tpu.memory_space<vmem>>[vector<16xi32>], vector<16xi32>, vector<16xi1>
        %add3A_195 = arith.constant 32 : i32
        %add3A_196 = arith.addi %mul3A_121, %add3A_195 : i32
        %add3A_197 = vector.broadcast %add3A_196 : i32 to vector<16xi32>
        %add3A_198 = arith.addi %add3A_197, %iota3A : vector<16xi32>
        tpu.vector_store_idx %arg8[%sub3A_194], %add3A_198 masked %eq3A_182 : memref<32784xi32, #tpu.memory_space<vmem>>[vector<16xi32>], vector<16xi32>, vector<16xi1>
        %all_reduce_population_count3A_199 = tpu.all_reduce %eq3A_182 {dim = 0 : i64, kind = #tpu.reduction_kind<sum>} : vector<16xi1> -> vector<16xi32>
        %add3A_200 = arith.addi %add3A_173, %all_reduce_population_count3A_199 : vector<16xi32>
        %add3A_201 = arith.constant 48 : i32
        %add3A_202 = arith.addi %mul3A_121, %add3A_201 : i32
        %get3A_203 = arith.index_cast %add3A_202 : i32 to index
        %get3A_204 = tpu.vector_load %arg6[%get3A_203] {strides = array<i32>} : memref<32768xi32, #tpu.memory_space<vmem>>, vector<16xi32>,
        %shift_right_arithmetic3A_205 = arith.constant 18 : i32
        %shift_right_arithmetic3A_206 = vector.broadcast %shift_right_arithmetic3A_205 : i32 to vector<16xi32>
        %shift_right_arithmetic3A_207 = arith.shrsi %get3A_204, %shift_right_arithmetic3A_206 : vector<16xi32>
        %eq3A_208 = vector.broadcast %shift_right_arithmetic3A_41 : i32 to vector<16xi32>
        %eq3A_209 = arith.cmpi eq, %shift_right_arithmetic3A_207, %eq3A_208 : vector<16xi32>
        %jit3A_210 = arith.constant 1 : i32
        %jit3A_211 = arith.constant 0 : i32
        %broadcast_in_dim3A_212 = vector.broadcast %jit3A_210 : i32 to vector<16xi32>
        %broadcast_in_dim3A_213 = vector.broadcast %jit3A_211 : i32 to vector<16xi32>
        %select_n3A_214 = arith.select %eq3A_209, %broadcast_in_dim3A_212, %broadcast_in_dim3A_213 : vector<16xi1>, vector<16xi32>
        %broadcast_in_dim3A_215 = arith.constant true
        %broadcast_in_dim3A_216 = vector.broadcast %broadcast_in_dim3A_215 : i1 to vector<16xi1>
        %masked_cumsum3A_217 = tpu.scan <sum>, %select_n3A_214 masked %broadcast_in_dim3A_216 : vector<16xi32>, vector<16xi1> -> vector<16xi32>
        %add3A_218 = arith.addi %add3A_200, %masked_cumsum3A_217 : vector<16xi32>
        %sub3A_219 = arith.constant 1 : i32
        %sub3A_220 = vector.broadcast %sub3A_219 : i32 to vector<16xi32>
        %sub3A_221 = arith.subi %add3A_218, %sub3A_220 : vector<16xi32>
        tpu.vector_store_idx %arg7[%sub3A_221], %get3A_204 masked %eq3A_209 : memref<32784xi32, #tpu.memory_space<vmem>>[vector<16xi32>], vector<16xi32>, vector<16xi1>
        %add3A_222 = arith.constant 48 : i32
        %add3A_223 = arith.addi %mul3A_121, %add3A_222 : i32
        %add3A_224 = vector.broadcast %add3A_223 : i32 to vector<16xi32>
        %add3A_225 = arith.addi %add3A_224, %iota3A : vector<16xi32>
        tpu.vector_store_idx %arg8[%sub3A_221], %add3A_225 masked %eq3A_209 : memref<32784xi32, #tpu.memory_space<vmem>>[vector<16xi32>], vector<16xi32>, vector<16xi1>
        %all_reduce_population_count3A_226 = tpu.all_reduce %eq3A_209 {dim = 0 : i64, kind = #tpu.reduction_kind<sum>} : vector<16xi1> -> vector<16xi32>
        %add3A_227 = arith.addi %add3A_200, %all_reduce_population_count3A_226 : vector<16xi32>
        %add3A_228 = arith.constant 64 : i32
        %add3A_229 = arith.addi %mul3A_121, %add3A_228 : i32
        %get3A_230 = arith.index_cast %add3A_229 : i32 to index
        %get3A_231 = tpu.vector_load %arg6[%get3A_230] {strides = array<i32>} : memref<32768xi32, #tpu.memory_space<vmem>>, vector<16xi32>,
        %shift_right_arithmetic3A_232 = arith.constant 18 : i32
        %shift_right_arithmetic3A_233 = vector.broadcast %shift_right_arithmetic3A_232 : i32 to vector<16xi32>
        %shift_right_arithmetic3A_234 = arith.shrsi %get3A_231, %shift_right_arithmetic3A_233 : vector<16xi32>
        %eq3A_235 = vector.broadcast %shift_right_arithmetic3A_41 : i32 to vector<16xi32>
        %eq3A_236 = arith.cmpi eq, %shift_right_arithmetic3A_234, %eq3A_235 : vector<16xi32>
        %jit3A_237 = arith.constant 1 : i32
        %jit3A_238 = arith.constant 0 : i32
        %broadcast_in_dim3A_239 = vector.broadcast %jit3A_237 : i32 to vector<16xi32>
        %broadcast_in_dim3A_240 = vector.broadcast %jit3A_238 : i32 to vector<16xi32>
        %select_n3A_241 = arith.select %eq3A_236, %broadcast_in_dim3A_239, %broadcast_in_dim3A_240 : vector<16xi1>, vector<16xi32>
        %broadcast_in_dim3A_242 = arith.constant true
        %broadcast_in_dim3A_243 = vector.broadcast %broadcast_in_dim3A_242 : i1 to vector<16xi1>
        %masked_cumsum3A_244 = tpu.scan <sum>, %select_n3A_241 masked %broadcast_in_dim3A_243 : vector<16xi32>, vector<16xi1> -> vector<16xi32>
        %add3A_245 = arith.addi %add3A_227, %masked_cumsum3A_244 : vector<16xi32>
        %sub3A_246 = arith.constant 1 : i32
        %sub3A_247 = vector.broadcast %sub3A_246 : i32 to vector<16xi32>
        %sub3A_248 = arith.subi %add3A_245, %sub3A_247 : vector<16xi32>
        tpu.vector_store_idx %arg7[%sub3A_248], %get3A_231 masked %eq3A_236 : memref<32784xi32, #tpu.memory_space<vmem>>[vector<16xi32>], vector<16xi32>, vector<16xi1>
        %add3A_249 = arith.constant 64 : i32
        %add3A_250 = arith.addi %mul3A_121, %add3A_249 : i32
        %add3A_251 = vector.broadcast %add3A_250 : i32 to vector<16xi32>
        %add3A_252 = arith.addi %add3A_251, %iota3A : vector<16xi32>
        tpu.vector_store_idx %arg8[%sub3A_248], %add3A_252 masked %eq3A_236 : memref<32784xi32, #tpu.memory_space<vmem>>[vector<16xi32>], vector<16xi32>, vector<16xi1>
        %all_reduce_population_count3A_253 = tpu.all_reduce %eq3A_236 {dim = 0 : i64, kind = #tpu.reduction_kind<sum>} : vector<16xi1> -> vector<16xi32>
        %add3A_254 = arith.addi %add3A_227, %all_reduce_population_count3A_253 : vector<16xi32>
        %add3A_255 = arith.constant 80 : i32
        %add3A_256 = arith.addi %mul3A_121, %add3A_255 : i32
        %get3A_257 = arith.index_cast %add3A_256 : i32 to index
        %get3A_258 = tpu.vector_load %arg6[%get3A_257] {strides = array<i32>} : memref<32768xi32, #tpu.memory_space<vmem>>, vector<16xi32>,
        %shift_right_arithmetic3A_259 = arith.constant 18 : i32
        %shift_right_arithmetic3A_260 = vector.broadcast %shift_right_arithmetic3A_259 : i32 to vector<16xi32>
        %shift_right_arithmetic3A_261 = arith.shrsi %get3A_258, %shift_right_arithmetic3A_260 : vector<16xi32>
        %eq3A_262 = vector.broadcast %shift_right_arithmetic3A_41 : i32 to vector<16xi32>
        %eq3A_263 = arith.cmpi eq, %shift_right_arithmetic3A_261, %eq3A_262 : vector<16xi32>
        %jit3A_264 = arith.constant 1 : i32
        %jit3A_265 = arith.constant 0 : i32
        %broadcast_in_dim3A_266 = vector.broadcast %jit3A_264 : i32 to vector<16xi32>
        %broadcast_in_dim3A_267 = vector.broadcast %jit3A_265 : i32 to vector<16xi32>
        %select_n3A_268 = arith.select %eq3A_263, %broadcast_in_dim3A_266, %broadcast_in_dim3A_267 : vector<16xi1>, vector<16xi32>
        %broadcast_in_dim3A_269 = arith.constant true
        %broadcast_in_dim3A_270 = vector.broadcast %broadcast_in_dim3A_269 : i1 to vector<16xi1>
        %masked_cumsum3A_271 = tpu.scan <sum>, %select_n3A_268 masked %broadcast_in_dim3A_270 : vector<16xi32>, vector<16xi1> -> vector<16xi32>
        %add3A_272 = arith.addi %add3A_254, %masked_cumsum3A_271 : vector<16xi32>
        %sub3A_273 = arith.constant 1 : i32
        %sub3A_274 = vector.broadcast %sub3A_273 : i32 to vector<16xi32>
        %sub3A_275 = arith.subi %add3A_272, %sub3A_274 : vector<16xi32>
        tpu.vector_store_idx %arg7[%sub3A_275], %get3A_258 masked %eq3A_263 : memref<32784xi32, #tpu.memory_space<vmem>>[vector<16xi32>], vector<16xi32>, vector<16xi1>
        %add3A_276 = arith.constant 80 : i32
        %add3A_277 = arith.addi %mul3A_121, %add3A_276 : i32
        %add3A_278 = vector.broadcast %add3A_277 : i32 to vector<16xi32>
        %add3A_279 = arith.addi %add3A_278, %iota3A : vector<16xi32>
        tpu.vector_store_idx %arg8[%sub3A_275], %add3A_279 masked %eq3A_263 : memref<32784xi32, #tpu.memory_space<vmem>>[vector<16xi32>], vector<16xi32>, vector<16xi1>
        %all_reduce_population_count3A_280 = tpu.all_reduce %eq3A_263 {dim = 0 : i64, kind = #tpu.reduction_kind<sum>} : vector<16xi1> -> vector<16xi32>
        %add3A_281 = arith.addi %add3A_254, %all_reduce_population_count3A_280 : vector<16xi32>
        %add3A_282 = arith.constant 96 : i32
        %add3A_283 = arith.addi %mul3A_121, %add3A_282 : i32
        %get3A_284 = arith.index_cast %add3A_283 : i32 to index
        %get3A_285 = tpu.vector_load %arg6[%get3A_284] {strides = array<i32>} : memref<32768xi32, #tpu.memory_space<vmem>>, vector<16xi32>,
        %shift_right_arithmetic3A_286 = arith.constant 18 : i32
        %shift_right_arithmetic3A_287 = vector.broadcast %shift_right_arithmetic3A_286 : i32 to vector<16xi32>
        %shift_right_arithmetic3A_288 = arith.shrsi %get3A_285, %shift_right_arithmetic3A_287 : vector<16xi32>
        %eq3A_289 = vector.broadcast %shift_right_arithmetic3A_41 : i32 to vector<16xi32>
        %eq3A_290 = arith.cmpi eq, %shift_right_arithmetic3A_288, %eq3A_289 : vector<16xi32>
        %jit3A_291 = arith.constant 1 : i32
        %jit3A_292 = arith.constant 0 : i32
        %broadcast_in_dim3A_293 = vector.broadcast %jit3A_291 : i32 to vector<16xi32>
        %broadcast_in_dim3A_294 = vector.broadcast %jit3A_292 : i32 to vector<16xi32>
        %select_n3A_295 = arith.select %eq3A_290, %broadcast_in_dim3A_293, %broadcast_in_dim3A_294 : vector<16xi1>, vector<16xi32>
        %broadcast_in_dim3A_296 = arith.constant true
        %broadcast_in_dim3A_297 = vector.broadcast %broadcast_in_dim3A_296 : i1 to vector<16xi1>
        %masked_cumsum3A_298 = tpu.scan <sum>, %select_n3A_295 masked %broadcast_in_dim3A_297 : vector<16xi32>, vector<16xi1> -> vector<16xi32>
        %add3A_299 = arith.addi %add3A_281, %masked_cumsum3A_298 : vector<16xi32>
        %sub3A_300 = arith.constant 1 : i32
        %sub3A_301 = vector.broadcast %sub3A_300 : i32 to vector<16xi32>
        %sub3A_302 = arith.subi %add3A_299, %sub3A_301 : vector<16xi32>
        tpu.vector_store_idx %arg7[%sub3A_302], %get3A_285 masked %eq3A_290 : memref<32784xi32, #tpu.memory_space<vmem>>[vector<16xi32>], vector<16xi32>, vector<16xi1>
        %add3A_303 = arith.constant 96 : i32
        %add3A_304 = arith.addi %mul3A_121, %add3A_303 : i32
        %add3A_305 = vector.broadcast %add3A_304 : i32 to vector<16xi32>
        %add3A_306 = arith.addi %add3A_305, %iota3A : vector<16xi32>
        tpu.vector_store_idx %arg8[%sub3A_302], %add3A_306 masked %eq3A_290 : memref<32784xi32, #tpu.memory_space<vmem>>[vector<16xi32>], vector<16xi32>, vector<16xi1>
        %all_reduce_population_count3A_307 = tpu.all_reduce %eq3A_290 {dim = 0 : i64, kind = #tpu.reduction_kind<sum>} : vector<16xi1> -> vector<16xi32>
        %add3A_308 = arith.addi %add3A_281, %all_reduce_population_count3A_307 : vector<16xi32>
        %add3A_309 = arith.constant 112 : i32
        %add3A_310 = arith.addi %mul3A_121, %add3A_309 : i32
        %get3A_311 = arith.index_cast %add3A_310 : i32 to index
        %get3A_312 = tpu.vector_load %arg6[%get3A_311] {strides = array<i32>} : memref<32768xi32, #tpu.memory_space<vmem>>, vector<16xi32>,
        %shift_right_arithmetic3A_313 = arith.constant 18 : i32
        %shift_right_arithmetic3A_314 = vector.broadcast %shift_right_arithmetic3A_313 : i32 to vector<16xi32>
        %shift_right_arithmetic3A_315 = arith.shrsi %get3A_312, %shift_right_arithmetic3A_314 : vector<16xi32>
        %eq3A_316 = vector.broadcast %shift_right_arithmetic3A_41 : i32 to vector<16xi32>
        %eq3A_317 = arith.cmpi eq, %shift_right_arithmetic3A_315, %eq3A_316 : vector<16xi32>
        %jit3A_318 = arith.constant 1 : i32
        %jit3A_319 = arith.constant 0 : i32
        %broadcast_in_dim3A_320 = vector.broadcast %jit3A_318 : i32 to vector<16xi32>
        %broadcast_in_dim3A_321 = vector.broadcast %jit3A_319 : i32 to vector<16xi32>
        %select_n3A_322 = arith.select %eq3A_317, %broadcast_in_dim3A_320, %broadcast_in_dim3A_321 : vector<16xi1>, vector<16xi32>
        %broadcast_in_dim3A_323 = arith.constant true
        %broadcast_in_dim3A_324 = vector.broadcast %broadcast_in_dim3A_323 : i1 to vector<16xi1>
        %masked_cumsum3A_325 = tpu.scan <sum>, %select_n3A_322 masked %broadcast_in_dim3A_324 : vector<16xi32>, vector<16xi1> -> vector<16xi32>
        %add3A_326 = arith.addi %add3A_308, %masked_cumsum3A_325 : vector<16xi32>
        %sub3A_327 = arith.constant 1 : i32
        %sub3A_328 = vector.broadcast %sub3A_327 : i32 to vector<16xi32>
        %sub3A_329 = arith.subi %add3A_326, %sub3A_328 : vector<16xi32>
        tpu.vector_store_idx %arg7[%sub3A_329], %get3A_312 masked %eq3A_317 : memref<32784xi32, #tpu.memory_space<vmem>>[vector<16xi32>], vector<16xi32>, vector<16xi1>
        %add3A_330 = arith.constant 112 : i32
        %add3A_331 = arith.addi %mul3A_121, %add3A_330 : i32
        %add3A_332 = vector.broadcast %add3A_331 : i32 to vector<16xi32>
        %add3A_333 = arith.addi %add3A_332, %iota3A : vector<16xi32>
        tpu.vector_store_idx %arg8[%sub3A_329], %add3A_333 masked %eq3A_317 : memref<32784xi32, #tpu.memory_space<vmem>>[vector<16xi32>], vector<16xi32>, vector<16xi1>
        %all_reduce_population_count3A_334 = tpu.all_reduce %eq3A_317 {dim = 0 : i64, kind = #tpu.reduction_kind<sum>} : vector<16xi1> -> vector<16xi32>
        %add3A_335 = arith.addi %add3A_308, %all_reduce_population_count3A_334 : vector<16xi32>
        scf.yield %add3A_335 : vector<16xi32>
      }
      %scan3A_49 = arith.constant 256 : i32
      %reduce_max3A_50 = arith.constant true
      %reduce_max3A_51 = vector.broadcast %reduce_max3A_50 : i1 to vector<16xi1>
      %reduce_max3A_52 = arith.constant -2147483648 : i32
      %reduce_max3A_53 = vector.broadcast %reduce_max3A_52 : i32 to vector<16xi32>
      %reduce_max3A_54 = arith.xori %scan3A_48, %reduce_max3A_53 : vector<16xi32>
      %reduce_max3A_55 = tpu.scan <max>, %reduce_max3A_54 masked %reduce_max3A_51 : vector<16xi32>, vector<16xi1> -> vector<16xi32>
      %reduce_max3A_56 = arith.xori %reduce_max3A_55, %reduce_max3A_53 : vector<16xi32>
      %reduce_max3A_57 = vector.extract %reduce_max3A_56[15] : i32 from vector<16xi32>
      %add3A_58 = vector.broadcast %reduce_max3A_57 : i32 to vector<16xi32>
      %add3A_59 = arith.addi %add3A_58, %iota3A : vector<16xi32>
      %broadcast_in_dim3A_60 = arith.constant -1 : i32
      %broadcast_in_dim3A_61 = vector.broadcast %broadcast_in_dim3A_60 : i32 to vector<16xi32>
      tpu.vector_store_idx %arg7[%add3A_59], %broadcast_in_dim3A_61 : memref<32784xi32, #tpu.memory_space<vmem>>[vector<16xi32>], vector<16xi32>,
      %add3A_62 = arith.constant 16 : i32
      %add3A_63 = arith.addi %reduce_max3A_57, %add3A_62 : i32
      %sub3A = arith.constant 1 : i32
      %sub3A_64 = arith.subi %add3A_63, %sub3A : i32
      %shift_right_arithmetic3A_65 = arith.constant 4 : i32
      %shift_right_arithmetic3A_66 = arith.shrsi %sub3A_64, %shift_right_arithmetic3A_65 : i32
      %broadcast_in_dim3A_67 = vector.broadcast %reduce_max3A_40 : i32 to vector<16xi32>
      %broadcast_in_dim3A_68 = vector.broadcast %reduce_max3A_25 : i32 to vector<16xi32>
      %scan3A_69 = arith.constant 131072 : i32
      %scan3A_70 = arith.constant 0 : i32
      %scan3A_71 = arith.constant 18 : i32
      %scan3A_72 = arith.addi %scan3A_70, %scan3A_71 : i32
      %scan3A_73 = arith.constant 1 : i32
      %scan3A_74:2 = scf.for %scan3A_118 = %scan3A_70 to %scan3A_72 step %scan3A_73 iter_args(%scan3A_119 = %broadcast_in_dim3A_68, %scan3A_120 = %scan3A_69) -> (vector<16xi32>, i32)  : i32 {
        %add3A_121 = vector.broadcast %scan3A_120 : i32 to vector<16xi32>
        %add3A_122 = arith.addi %scan3A_119, %add3A_121 : vector<16xi32>
        %while3A_123 = arith.constant 0 : i32
        %while3A_124 = arith.subi %shift_right_arithmetic3A_66, %while3A_123 : i32
        %while3A_125 = arith.addi %while3A_123, %while3A_124 : i32
        %while3A_126 = arith.constant 1 : i32
        %while3A_127 = arith.divsi %while3A_124, %while3A_126 : i32
        %while3A_128 = arith.muli %while3A_127, %while3A_126 : i32
        %while3A_129 = arith.addi %while3A_123, %while3A_128 : i32
        %while3A_130 = arith.constant 1 : i32
        %while3A_131 = scf.for %while3A_137 = %while3A_123 to %while3A_129 step %while3A_130 iter_args(%while3A_138 = %broadcast_in_dim3A_43) -> (vector<16xi32>)  : i32 {
          %mul3A_139 = arith.constant 16 : i32
          %mul3A_140 = arith.muli %while3A_137, %mul3A_139 : i32
          %get3A_141 = arith.index_cast %mul3A_140 : i32 to index
          %get3A_142 = tpu.vector_load %arg7[%get3A_141] {strides = array<i32>} : memref<32784xi32, #tpu.memory_space<vmem>>, vector<16xi32>,
          %ge3A_143 = arith.cmpi sge, %get3A_142, %add3A_122 : vector<16xi32>
          %all_reduce_population_count3A = tpu.all_reduce %ge3A_143 {dim = 0 : i64, kind = #tpu.reduction_kind<sum>} : vector<16xi1> -> vector<16xi32>
          %add3A_144 = arith.addi %while3A_138, %all_reduce_population_count3A : vector<16xi32>
          scf.yield %add3A_144 : vector<16xi32>
        }
        %while3A_132 = arith.constant 1 : i32
        %while3A_133 = scf.for %while3A_137 = %while3A_129 to %while3A_125 step %while3A_132 iter_args(%while3A_138 = %while3A_131) -> (vector<16xi32>)  : i32 {
          %mul3A_139 = arith.constant 16 : i32
          %mul3A_140 = arith.muli %while3A_137, %mul3A_139 : i32
          %get3A_141 = arith.index_cast %mul3A_140 : i32 to index
          %get3A_142 = tpu.vector_load %arg7[%get3A_141] {strides = array<i32>} : memref<32784xi32, #tpu.memory_space<vmem>>, vector<16xi32>,
          %ge3A_143 = arith.cmpi sge, %get3A_142, %add3A_122 : vector<16xi32>
          %all_reduce_population_count3A = tpu.all_reduce %ge3A_143 {dim = 0 : i64, kind = #tpu.reduction_kind<sum>} : vector<16xi1> -> vector<16xi32>
          %add3A_144 = arith.addi %while3A_138, %all_reduce_population_count3A : vector<16xi32>
          scf.yield %add3A_144 : vector<16xi32>
        }
        %ge3A = arith.cmpi sge, %while3A_133, %broadcast_in_dim3A_67 : vector<16xi32>
        %select_n3A_134 = arith.select %ge3A, %add3A_122, %scan3A_119 : vector<16xi1>, vector<16xi32>
        %shift_right_arithmetic3A_135 = arith.constant 1 : i32
        %shift_right_arithmetic3A_136 = arith.shrsi %scan3A_120, %shift_right_arithmetic3A_135 : i32
        scf.yield %select_n3A_134, %shift_right_arithmetic3A_136 : vector<16xi32>, i32
      }
      %scan3A_75 = arith.constant 18 : i32
      %add3A_76 = arith.constant 1 : i32
      %add3A_77 = vector.broadcast %add3A_76 : i32 to vector<16xi32>
      %add3A_78 = arith.addi %scan3A_74#0, %add3A_77 : vector<16xi32>
      %while3A = arith.constant 0 : i32
      %while3A_79 = arith.subi %shift_right_arithmetic3A_66, %while3A : i32
      %while3A_80 = arith.addi %while3A, %while3A_79 : i32
      %while3A_81 = arith.constant 1 : i32
      %while3A_82 = arith.divsi %while3A_79, %while3A_81 : i32
      %while3A_83 = arith.muli %while3A_82, %while3A_81 : i32
      %while3A_84 = arith.addi %while3A, %while3A_83 : i32
      %while3A_85 = arith.constant 1 : i32
      %while3A_86 = scf.for %while3A_118 = %while3A to %while3A_84 step %while3A_85 iter_args(%while3A_119 = %broadcast_in_dim3A_43) -> (vector<16xi32>)  : i32 {
        %mul3A_120 = arith.constant 16 : i32
        %mul3A_121 = arith.muli %while3A_118, %mul3A_120 : i32
        %get3A_122 = arith.index_cast %mul3A_121 : i32 to index
        %get3A_123 = tpu.vector_load %arg7[%get3A_122] {strides = array<i32>} : memref<32784xi32, #tpu.memory_space<vmem>>, vector<16xi32>,
        %ge3A = arith.cmpi sge, %get3A_123, %add3A_78 : vector<16xi32>
        %all_reduce_population_count3A = tpu.all_reduce %ge3A {dim = 0 : i64, kind = #tpu.reduction_kind<sum>} : vector<16xi1> -> vector<16xi32>
        %add3A_124 = arith.addi %while3A_119, %all_reduce_population_count3A : vector<16xi32>
        scf.yield %add3A_124 : vector<16xi32>
      }
      %while3A_87 = arith.constant 1 : i32
      %while3A_88 = scf.for %while3A_118 = %while3A_84 to %while3A_80 step %while3A_87 iter_args(%while3A_119 = %while3A_86) -> (vector<16xi32>)  : i32 {
        %mul3A_120 = arith.constant 16 : i32
        %mul3A_121 = arith.muli %while3A_118, %mul3A_120 : i32
        %get3A_122 = arith.index_cast %mul3A_121 : i32 to index
        %get3A_123 = tpu.vector_load %arg7[%get3A_122] {strides = array<i32>} : memref<32784xi32, #tpu.memory_space<vmem>>, vector<16xi32>,
        %ge3A = arith.cmpi sge, %get3A_123, %add3A_78 : vector<16xi32>
        %all_reduce_population_count3A = tpu.all_reduce %ge3A {dim = 0 : i64, kind = #tpu.reduction_kind<sum>} : vector<16xi1> -> vector<16xi32>
        %add3A_124 = arith.addi %while3A_119, %all_reduce_population_count3A : vector<16xi32>
        scf.yield %add3A_124 : vector<16xi32>
      }
      %sub3A_89 = arith.subi %broadcast_in_dim3A_67, %while3A_88 : vector<16xi32>
      %broadcast_in_dim3A_90 = arith.constant 0 : i32
      %broadcast_in_dim3A_91 = vector.broadcast %broadcast_in_dim3A_90 : i32 to vector<16xi32>
      %while3A_92 = arith.constant 0 : i32
      %while3A_93 = arith.subi %shift_right_arithmetic3A_66, %while3A_92 : i32
      %while3A_94 = arith.addi %while3A_92, %while3A_93 : i32
      %while3A_95 = arith.constant 1 : i32
      %while3A_96 = arith.divsi %while3A_93, %while3A_95 : i32
      %while3A_97 = arith.muli %while3A_96, %while3A_95 : i32
      %while3A_98 = arith.addi %while3A_92, %while3A_97 : i32
      %while3A_99 = arith.constant 1 : i32
      %while3A_100:2 = scf.for %while3A_118 = %while3A_92 to %while3A_98 step %while3A_99 iter_args(%while3A_119 = %broadcast_in_dim3A_91, %while3A_120 = %broadcast_in_dim3A_91) -> (vector<16xi32>, vector<16xi32>)  : i32 {
        %mul3A_121 = arith.constant 16 : i32
        %mul3A_122 = arith.muli %while3A_118, %mul3A_121 : i32
        %get3A_123 = arith.index_cast %mul3A_122 : i32 to index
        %get3A_124 = tpu.vector_load %arg7[%get3A_123] {strides = array<i32>} : memref<32784xi32, #tpu.memory_space<vmem>>, vector<16xi32>,
        %mul3A_125 = arith.constant 16 : i32
        %mul3A_126 = arith.muli %while3A_118, %mul3A_125 : i32
        %get3A_127 = arith.index_cast %mul3A_126 : i32 to index
        %get3A_128 = tpu.vector_load %arg8[%get3A_127] {strides = array<i32>} : memref<32784xi32, #tpu.memory_space<vmem>>, vector<16xi32>,
        %eq3A_129 = arith.cmpi eq, %get3A_124, %scan3A_74#0 : vector<16xi32>
        %jit3A_130 = arith.constant 1 : i32
        %jit3A_131 = arith.constant 0 : i32
        %broadcast_in_dim3A_132 = vector.broadcast %jit3A_130 : i32 to vector<16xi32>
        %broadcast_in_dim3A_133 = vector.broadcast %jit3A_131 : i32 to vector<16xi32>
        %select_n3A_134 = arith.select %eq3A_129, %broadcast_in_dim3A_132, %broadcast_in_dim3A_133 : vector<16xi1>, vector<16xi32>
        %broadcast_in_dim3A_135 = arith.constant true
        %broadcast_in_dim3A_136 = vector.broadcast %broadcast_in_dim3A_135 : i1 to vector<16xi1>
        %masked_cumsum3A = tpu.scan <sum>, %select_n3A_134 masked %broadcast_in_dim3A_136 : vector<16xi32>, vector<16xi1> -> vector<16xi32>
        %all_reduce_population_count3A = tpu.all_reduce %eq3A_129 {dim = 0 : i64, kind = #tpu.reduction_kind<sum>} : vector<16xi1> -> vector<16xi32>
        %add3A_137 = arith.addi %while3A_119, %masked_cumsum3A : vector<16xi32>
        %eq3A_138 = arith.cmpi eq, %add3A_137, %sub3A_89 : vector<16xi32>
        %and3A = arith.andi %eq3A_129, %eq3A_138 : vector<16xi1>
        %jit3A_139 = arith.constant 0 : i32
        %broadcast_in_dim3A_140 = vector.broadcast %jit3A_139 : i32 to vector<16xi32>
        %select_n3A_141 = arith.select %and3A, %get3A_128, %broadcast_in_dim3A_140 : vector<16xi1>, vector<16xi32>
        %add3A_142 = arith.addi %while3A_120, %select_n3A_141 : vector<16xi32>
        %add3A_143 = arith.addi %while3A_119, %all_reduce_population_count3A : vector<16xi32>
        scf.yield %add3A_143, %add3A_142 : vector<16xi32>, vector<16xi32>
      }
      %while3A_101 = arith.constant 1 : i32
      %while3A_102:2 = scf.for %while3A_118 = %while3A_98 to %while3A_94 step %while3A_101 iter_args(%while3A_119 = %while3A_100#0, %while3A_120 = %while3A_100#1) -> (vector<16xi32>, vector<16xi32>)  : i32 {
        %mul3A_121 = arith.constant 16 : i32
        %mul3A_122 = arith.muli %while3A_118, %mul3A_121 : i32
        %get3A_123 = arith.index_cast %mul3A_122 : i32 to index
        %get3A_124 = tpu.vector_load %arg7[%get3A_123] {strides = array<i32>} : memref<32784xi32, #tpu.memory_space<vmem>>, vector<16xi32>,
        %mul3A_125 = arith.constant 16 : i32
        %mul3A_126 = arith.muli %while3A_118, %mul3A_125 : i32
        %get3A_127 = arith.index_cast %mul3A_126 : i32 to index
        %get3A_128 = tpu.vector_load %arg8[%get3A_127] {strides = array<i32>} : memref<32784xi32, #tpu.memory_space<vmem>>, vector<16xi32>,
        %eq3A_129 = arith.cmpi eq, %get3A_124, %scan3A_74#0 : vector<16xi32>
        %jit3A_130 = arith.constant 1 : i32
        %jit3A_131 = arith.constant 0 : i32
        %broadcast_in_dim3A_132 = vector.broadcast %jit3A_130 : i32 to vector<16xi32>
        %broadcast_in_dim3A_133 = vector.broadcast %jit3A_131 : i32 to vector<16xi32>
        %select_n3A_134 = arith.select %eq3A_129, %broadcast_in_dim3A_132, %broadcast_in_dim3A_133 : vector<16xi1>, vector<16xi32>
        %broadcast_in_dim3A_135 = arith.constant true
        %broadcast_in_dim3A_136 = vector.broadcast %broadcast_in_dim3A_135 : i1 to vector<16xi1>
        %masked_cumsum3A = tpu.scan <sum>, %select_n3A_134 masked %broadcast_in_dim3A_136 : vector<16xi32>, vector<16xi1> -> vector<16xi32>
        %all_reduce_population_count3A = tpu.all_reduce %eq3A_129 {dim = 0 : i64, kind = #tpu.reduction_kind<sum>} : vector<16xi1> -> vector<16xi32>
        %add3A_137 = arith.addi %while3A_119, %masked_cumsum3A : vector<16xi32>
        %eq3A_138 = arith.cmpi eq, %add3A_137, %sub3A_89 : vector<16xi32>
        %and3A = arith.andi %eq3A_129, %eq3A_138 : vector<16xi1>
        %jit3A_139 = arith.constant 0 : i32
        %broadcast_in_dim3A_140 = vector.broadcast %jit3A_139 : i32 to vector<16xi32>
        %select_n3A_141 = arith.select %and3A, %get3A_128, %broadcast_in_dim3A_140 : vector<16xi1>, vector<16xi32>
        %add3A_142 = arith.addi %while3A_120, %select_n3A_141 : vector<16xi32>
        %add3A_143 = arith.addi %while3A_119, %all_reduce_population_count3A : vector<16xi32>
        scf.yield %add3A_143, %add3A_142 : vector<16xi32>, vector<16xi32>
      }
      %reduce_max3A_103 = arith.constant true
      %reduce_max3A_104 = vector.broadcast %reduce_max3A_103 : i1 to vector<16xi1>
      %reduce_max3A_105 = arith.constant -2147483648 : i32
      %reduce_max3A_106 = vector.broadcast %reduce_max3A_105 : i32 to vector<16xi32>
      %reduce_max3A_107 = arith.xori %while3A_102#1, %reduce_max3A_106 : vector<16xi32>
      %reduce_max3A_108 = tpu.scan <max>, %reduce_max3A_107 masked %reduce_max3A_104 : vector<16xi32>, vector<16xi1> -> vector<16xi32>
      %reduce_max3A_109 = arith.xori %reduce_max3A_108, %reduce_max3A_106 : vector<16xi32>
      %reduce_max3A_110 = vector.extract %reduce_max3A_109[15] : i32 from vector<16xi32>
      %eq3A_111 = vector.broadcast %scan3A_11 : i32 to vector<16xi32>
      %eq3A_112 = arith.cmpi eq, %iota3A, %eq3A_111 : vector<16xi32>
      %select_n3A_113 = arith.select %eq3A_112, %scan3A_74#0, %scan3A_12 : vector<16xi1>, vector<16xi32>
      %eq3A_114 = vector.broadcast %scan3A_11 : i32 to vector<16xi32>
      %eq3A_115 = arith.cmpi eq, %iota3A, %eq3A_114 : vector<16xi32>
      %broadcast_in_dim3A_116 = vector.broadcast %reduce_max3A_110 : i32 to vector<16xi32>
      %select_n3A_117 = arith.select %eq3A_115, %broadcast_in_dim3A_116, %scan3A_13 : vector<16xi1>, vector<16xi32>
      scf.yield %select_n3A_113, %select_n3A_117 : vector<16xi32>, vector<16xi32>
    }
    %scan3A_7 = arith.constant 4 : i32
    %swap3A = arith.constant 0 : index
    %swap3A_8 = tpu.vector_load %arg9[%swap3A] {strides = array<i32>} : memref<16xi32, #tpu.memory_space<vmem>>, vector<16xi32>,
    tpu.vector_store %arg9[%swap3A], %scan3A_6#0 {strides = array<i32>} : memref<16xi32, #tpu.memory_space<vmem>>, vector<16xi32>,
    "tpu.region"() ({
      %run_scoped3A = tpu.sem_alloc : memref<!tpu.dma_semaphore, #tpu.memory_space<semaphore_mem>>
      %dma_start3A = arith.constant 0 : i32
      %dma_start3A_11 = tpu.memref_slice %arg4[%add3A, %dma_start3A] : memref<32x16xi32, #tpu.memory_space<hbm>> -> memref<1x16xi32, #tpu.memory_space<hbm>>
      %dma_start3A_12 = tpu.memref_squeeze %dma_start3A_11 : memref<1x16xi32, #tpu.memory_space<hbm>> -> memref<16xi32, #tpu.memory_space<hbm>>
      %dma_start3A_13 = arith.constant 0 : i32
      %dma_start3A_14 = tpu.memref_slice %arg4[%add3A, %dma_start3A_13] : memref<32x16xi32, #tpu.memory_space<hbm>> -> memref<1x16xi32, #tpu.memory_space<hbm>>
      %dma_start3A_15 = tpu.memref_squeeze %dma_start3A_14 : memref<1x16xi32, #tpu.memory_space<hbm>> -> memref<16xi32, #tpu.memory_space<hbm>>
      tpu.enqueue_dma source(%arg9 : memref<16xi32, #tpu.memory_space<vmem>>) target(%dma_start3A_15 : memref<16xi32, #tpu.memory_space<hbm>>) target_semaphore(%run_scoped3A : memref<!tpu.dma_semaphore, #tpu.memory_space<semaphore_mem>>)
      %dma_wait3A = arith.constant 0 : i32
      %dma_wait3A_16 = tpu.memref_slice %arg4[%add3A, %dma_wait3A] : memref<32x16xi32, #tpu.memory_space<hbm>> -> memref<1x16xi32, #tpu.memory_space<hbm>>
      %dma_wait3A_17 = tpu.memref_squeeze %dma_wait3A_16 : memref<1x16xi32, #tpu.memory_space<hbm>> -> memref<16xi32, #tpu.memory_space<hbm>>
      %dma_wait3A_18 = arith.constant 0 : i32
      %dma_wait3A_19 = tpu.memref_slice %arg4[%add3A, %dma_wait3A_18] : memref<32x16xi32, #tpu.memory_space<hbm>> -> memref<1x16xi32, #tpu.memory_space<hbm>>
      %dma_wait3A_20 = tpu.memref_squeeze %dma_wait3A_19 : memref<1x16xi32, #tpu.memory_space<hbm>> -> memref<16xi32, #tpu.memory_space<hbm>>
      tpu.wait_dma2 semaphore(%run_scoped3A : memref<!tpu.dma_semaphore, #tpu.memory_space<semaphore_mem>>) src(%arg9 : memref<16xi32, #tpu.memory_space<vmem>>) dst(%dma_wait3A_20 : memref<16xi32, #tpu.memory_space<hbm>>)
      tpu.yield
    }) : () -> ()
    %swap3A_9 = arith.constant 0 : index
    %swap3A_10 = tpu.vector_load %arg9[%swap3A_9] {strides = array<i32>} : memref<16xi32, #tpu.memory_space<vmem>>, vector<16xi32>,
    tpu.vector_store %arg9[%swap3A_9], %scan3A_6#1 {strides = array<i32>} : memref<16xi32, #tpu.memory_space<vmem>>, vector<16xi32>,
    "tpu.region"() ({
      %run_scoped3A = tpu.sem_alloc : memref<!tpu.dma_semaphore, #tpu.memory_space<semaphore_mem>>
      %dma_start3A = arith.constant 0 : i32
      %dma_start3A_11 = tpu.memref_slice %arg5[%add3A, %dma_start3A] : memref<32x16xi32, #tpu.memory_space<hbm>> -> memref<1x16xi32, #tpu.memory_space<hbm>>
      %dma_start3A_12 = tpu.memref_squeeze %dma_start3A_11 : memref<1x16xi32, #tpu.memory_space<hbm>> -> memref<16xi32, #tpu.memory_space<hbm>>
      %dma_start3A_13 = arith.constant 0 : i32
      %dma_start3A_14 = tpu.memref_slice %arg5[%add3A, %dma_start3A_13] : memref<32x16xi32, #tpu.memory_space<hbm>> -> memref<1x16xi32, #tpu.memory_space<hbm>>
      %dma_start3A_15 = tpu.memref_squeeze %dma_start3A_14 : memref<1x16xi32, #tpu.memory_space<hbm>> -> memref<16xi32, #tpu.memory_space<hbm>>
      tpu.enqueue_dma source(%arg9 : memref<16xi32, #tpu.memory_space<vmem>>) target(%dma_start3A_15 : memref<16xi32, #tpu.memory_space<hbm>>) target_semaphore(%run_scoped3A : memref<!tpu.dma_semaphore, #tpu.memory_space<semaphore_mem>>)
      %dma_wait3A = arith.constant 0 : i32
      %dma_wait3A_16 = tpu.memref_slice %arg5[%add3A, %dma_wait3A] : memref<32x16xi32, #tpu.memory_space<hbm>> -> memref<1x16xi32, #tpu.memory_space<hbm>>
      %dma_wait3A_17 = tpu.memref_squeeze %dma_wait3A_16 : memref<1x16xi32, #tpu.memory_space<hbm>> -> memref<16xi32, #tpu.memory_space<hbm>>
      %dma_wait3A_18 = arith.constant 0 : i32
      %dma_wait3A_19 = tpu.memref_slice %arg5[%add3A, %dma_wait3A_18] : memref<32x16xi32, #tpu.memory_space<hbm>> -> memref<1x16xi32, #tpu.memory_space<hbm>>
      %dma_wait3A_20 = tpu.memref_squeeze %dma_wait3A_19 : memref<1x16xi32, #tpu.memory_space<hbm>> -> memref<16xi32, #tpu.memory_space<hbm>>
      tpu.wait_dma2 semaphore(%run_scoped3A : memref<!tpu.dma_semaphore, #tpu.memory_space<semaphore_mem>>) src(%arg9 : memref<16xi32, #tpu.memory_space<vmem>>) dst(%dma_wait3A_20 : memref<16xi32, #tpu.memory_space<hbm>>)
      tpu.yield
    }) : () -> ()
    return
  }
}

module attributes {stable_mosaic.version = 14 : i64} {
  func.func @_zs_kernel(%arg0: i32, %arg1: memref<32x32768xf32, #tpu.memory_space<vmem>>, %arg2: memref<32x32768xi32, #tpu.memory_space<vmem>>, %arg3: memref<32x32768xf32, #tpu.memory_space<vmem>>, %arg4: memref<32x1xi32, #tpu.memory_space<vmem>>, %arg5: memref<32x1xi32, #tpu.memory_space<vmem>>) attributes {dimension_semantics = [#tpu.dimension_semantics<arbitrary>], iteration_bounds = array<i64: 4>, scalar_prefetch = 0 : i64, scratch_operands = 0 : i64, tpu.core_type = #tpu.core_type<tc>, window_params = [{transform_indices = @transform_0, window_bounds = array<i64: 32, 32768>}, {transform_indices = @transform_1, window_bounds = array<i64: 32, 32768>}, {transform_indices = @transform_2, window_bounds = array<i64: 32, 32768>}, {transform_indices = @transform_3, window_bounds = array<i64: 32, 1>}, {transform_indices = @transform_4, window_bounds = array<i64: 32, 1>}]} {
    %get3A = arith.constant 0 : index
    %get3A_0 = arith.constant 0 : index
    %get3A_1 = vector.load %arg1[%get3A, %get3A_0] : memref<32x32768xf32, #tpu.memory_space<vmem>>, vector<32x32768xf32>
    %add3A = arith.constant 1.000000e+00 : f32
    %add3A_2 = vector.broadcast %add3A : f32 to vector<32x32768xf32>
    %add3A_3 = arith.addf %get3A_1, %add3A_2 : vector<32x32768xf32>
    %mul3A = arith.constant 1.500000e+00 : f32
    %mul3A_4 = vector.broadcast %mul3A : f32 to vector<32x32768xf32>
    %mul3A_5 = arith.mulf %add3A_3, %mul3A_4 : vector<32x32768xf32>
    %logistic3A = arith.negf %mul3A_5 : vector<32x32768xf32>
    %logistic3A_6 = math.exp %logistic3A : vector<32x32768xf32>
    %logistic3A_7 = arith.constant 1.000000e+00 : f32
    %logistic3A_8 = vector.broadcast %logistic3A_7 : f32 to vector<32x32768xf32>
    %logistic3A_9 = arith.addf %logistic3A_8, %logistic3A_6 : vector<32x32768xf32>
    %logistic3A_10 = arith.divf %logistic3A_8, %logistic3A_9 : vector<32x32768xf32>
    %mul3A_11 = arith.constant 1.200000e+00 : f32
    %mul3A_12 = vector.broadcast %mul3A_11 : f32 to vector<32x32768xf32>
    %mul3A_13 = arith.mulf %logistic3A_10, %mul3A_12 : vector<32x32768xf32>
    %add3A_14 = arith.constant -1.000000e-01 : f32
    %add3A_15 = vector.broadcast %add3A_14 : f32 to vector<32x32768xf32>
    %add3A_16 = arith.addf %mul3A_13, %add3A_15 : vector<32x32768xf32>
    %jit3A = arith.constant 0.000000e+00 : f32
    %jit3A_17 = arith.constant 1.000000e+00 : f32
    %max3A = vector.broadcast %jit3A : f32 to vector<32x32768xf32>
    %max3A_18 = arith.maximumf %max3A, %add3A_16 : vector<32x32768xf32>
    %min3A = vector.broadcast %jit3A_17 : f32 to vector<32x32768xf32>
    %min3A_19 = arith.minimumf %min3A, %max3A_18 : vector<32x32768xf32>
    %swap3A = arith.constant 0 : index
    %swap3A_20 = arith.constant 0 : index
    %swap3A_21 = vector.load %arg3[%swap3A, %swap3A_20] : memref<32x32768xf32, #tpu.memory_space<vmem>>, vector<32x32768xf32>
    tpu.vector_store %arg3[%swap3A, %swap3A_20], %min3A_19 {strides = array<i32>} : memref<32x32768xf32, #tpu.memory_space<vmem>>, vector<32x32768xf32>,
    %bitcast_convert_type3A = tpu.bitcast %logistic3A_10 : vector<32x32768xf32> -> vector<32x32768xi32>
    %swap3A_22 = arith.constant 0 : index
    %swap3A_23 = arith.constant 0 : index
    %swap3A_24 = vector.load %arg2[%swap3A_22, %swap3A_23] : memref<32x32768xi32, #tpu.memory_space<vmem>>, vector<32x32768xi32>
    tpu.vector_store %arg2[%swap3A_22, %swap3A_23], %bitcast_convert_type3A {strides = array<i32>} : memref<32x32768xi32, #tpu.memory_space<vmem>>, vector<32x32768xi32>,
    %broadcast_in_dim3A = arith.constant 0 : i32
    %broadcast_in_dim3A_25 = vector.broadcast %broadcast_in_dim3A : i32 to vector<32x1xi32>
    %scan3A = arith.constant 536870912 : i32
    %scan3A_26 = arith.constant 0 : i32
    %scan3A_27 = arith.constant 12 : i32
    %scan3A_28 = arith.addi %scan3A_26, %scan3A_27 : i32
    %scan3A_29 = arith.constant 1 : i32
    %scan3A_30:2 = scf.for %scan3A_63 = %scan3A_26 to %scan3A_28 step %scan3A_29 iter_args(%scan3A_64 = %broadcast_in_dim3A_25, %scan3A_65 = %scan3A) -> (vector<32x1xi32>, i32)  : i32 {
      %add3A_66 = vector.broadcast %scan3A_65 : i32 to vector<32x1xi32>
      %add3A_67 = arith.addi %scan3A_64, %add3A_66 : vector<32x1xi32>
      %ge3A_68 = vector.broadcast %add3A_67 : vector<32x1xi32> to vector<32x32768xi32>
      %ge3A_69 = arith.cmpi sge, %bitcast_convert_type3A, %ge3A_68 : vector<32x32768xi32>
      %slice3A_70 = vector.extract_strided_slice %ge3A_69 {offsets = [0, 0], sizes = [32, 8192], strides = [1, 1]} : vector<32x32768xi1> to vector<32x8192xi1>
      %convert_element_type3A_71 = arith.extui %slice3A_70 : vector<32x8192xi1> to vector<32x8192xi32>
      %reduce_sum3A_72 = arith.constant dense<0> : vector<32xi32>
      %reduce_sum3A_73 = vector.multi_reduction <add>, %convert_element_type3A_71, %reduce_sum3A_72 [1] : vector<32x8192xi32> to vector<32xi32>
      %broadcast_in_dim3A_74 = vector.shape_cast %reduce_sum3A_73 : vector<32xi32> to vector<32x1xi32>
      %slice3A_75 = vector.extract_strided_slice %ge3A_69 {offsets = [0, 8192], sizes = [32, 8192], strides = [1, 1]} : vector<32x32768xi1> to vector<32x8192xi1>
      %convert_element_type3A_76 = arith.extui %slice3A_75 : vector<32x8192xi1> to vector<32x8192xi32>
      %reduce_sum3A_77 = arith.constant dense<0> : vector<32xi32>
      %reduce_sum3A_78 = vector.multi_reduction <add>, %convert_element_type3A_76, %reduce_sum3A_77 [1] : vector<32x8192xi32> to vector<32xi32>
      %broadcast_in_dim3A_79 = vector.shape_cast %reduce_sum3A_78 : vector<32xi32> to vector<32x1xi32>
      %slice3A_80 = vector.extract_strided_slice %ge3A_69 {offsets = [0, 16384], sizes = [32, 8192], strides = [1, 1]} : vector<32x32768xi1> to vector<32x8192xi1>
      %convert_element_type3A_81 = arith.extui %slice3A_80 : vector<32x8192xi1> to vector<32x8192xi32>
      %reduce_sum3A_82 = arith.constant dense<0> : vector<32xi32>
      %reduce_sum3A_83 = vector.multi_reduction <add>, %convert_element_type3A_81, %reduce_sum3A_82 [1] : vector<32x8192xi32> to vector<32xi32>
      %broadcast_in_dim3A_84 = vector.shape_cast %reduce_sum3A_83 : vector<32xi32> to vector<32x1xi32>
      %slice3A_85 = vector.extract_strided_slice %ge3A_69 {offsets = [0, 24576], sizes = [32, 8192], strides = [1, 1]} : vector<32x32768xi1> to vector<32x8192xi1>
      %convert_element_type3A_86 = arith.extui %slice3A_85 : vector<32x8192xi1> to vector<32x8192xi32>
      %reduce_sum3A_87 = arith.constant dense<0> : vector<32xi32>
      %reduce_sum3A_88 = vector.multi_reduction <add>, %convert_element_type3A_86, %reduce_sum3A_87 [1] : vector<32x8192xi32> to vector<32xi32>
      %broadcast_in_dim3A_89 = vector.shape_cast %reduce_sum3A_88 : vector<32xi32> to vector<32x1xi32>
      %add3A_90 = arith.addi %broadcast_in_dim3A_74, %broadcast_in_dim3A_79 : vector<32x1xi32>
      %add3A_91 = arith.addi %broadcast_in_dim3A_84, %broadcast_in_dim3A_89 : vector<32x1xi32>
      %add3A_92 = arith.addi %add3A_90, %add3A_91 : vector<32x1xi32>
      %ge3A_93 = arith.constant 256 : i32
      %ge3A_94 = vector.broadcast %ge3A_93 : i32 to vector<32x1xi32>
      %ge3A_95 = arith.cmpi sge, %add3A_92, %ge3A_94 : vector<32x1xi32>
      %select_n3A = arith.select %ge3A_95, %add3A_67, %scan3A_64 : vector<32x1xi1>, vector<32x1xi32>
      %shift_right_arithmetic3A = arith.constant 1 : i32
      %shift_right_arithmetic3A_96 = arith.shrsi %scan3A_65, %shift_right_arithmetic3A : i32
      scf.yield %select_n3A, %shift_right_arithmetic3A_96 : vector<32x1xi32>, i32
    }
    %add3A_31 = arith.constant 262144 : i32
    %add3A_32 = vector.broadcast %add3A_31 : i32 to vector<32x1xi32>
    %add3A_33 = arith.addi %scan3A_30#0, %add3A_32 : vector<32x1xi32>
    %ge3A = vector.broadcast %add3A_33 : vector<32x1xi32> to vector<32x32768xi32>
    %ge3A_34 = arith.cmpi sge, %bitcast_convert_type3A, %ge3A : vector<32x32768xi32>
    %slice3A = vector.extract_strided_slice %ge3A_34 {offsets = [0, 0], sizes = [32, 8192], strides = [1, 1]} : vector<32x32768xi1> to vector<32x8192xi1>
    %convert_element_type3A = arith.extui %slice3A : vector<32x8192xi1> to vector<32x8192xi32>
    %reduce_sum3A = arith.constant dense<0> : vector<32xi32>
    %reduce_sum3A_35 = vector.multi_reduction <add>, %convert_element_type3A, %reduce_sum3A [1] : vector<32x8192xi32> to vector<32xi32>
    %broadcast_in_dim3A_36 = vector.shape_cast %reduce_sum3A_35 : vector<32xi32> to vector<32x1xi32>
    %slice3A_37 = vector.extract_strided_slice %ge3A_34 {offsets = [0, 8192], sizes = [32, 8192], strides = [1, 1]} : vector<32x32768xi1> to vector<32x8192xi1>
    %convert_element_type3A_38 = arith.extui %slice3A_37 : vector<32x8192xi1> to vector<32x8192xi32>
    %reduce_sum3A_39 = arith.constant dense<0> : vector<32xi32>
    %reduce_sum3A_40 = vector.multi_reduction <add>, %convert_element_type3A_38, %reduce_sum3A_39 [1] : vector<32x8192xi32> to vector<32xi32>
    %broadcast_in_dim3A_41 = vector.shape_cast %reduce_sum3A_40 : vector<32xi32> to vector<32x1xi32>
    %slice3A_42 = vector.extract_strided_slice %ge3A_34 {offsets = [0, 16384], sizes = [32, 8192], strides = [1, 1]} : vector<32x32768xi1> to vector<32x8192xi1>
    %convert_element_type3A_43 = arith.extui %slice3A_42 : vector<32x8192xi1> to vector<32x8192xi32>
    %reduce_sum3A_44 = arith.constant dense<0> : vector<32xi32>
    %reduce_sum3A_45 = vector.multi_reduction <add>, %convert_element_type3A_43, %reduce_sum3A_44 [1] : vector<32x8192xi32> to vector<32xi32>
    %broadcast_in_dim3A_46 = vector.shape_cast %reduce_sum3A_45 : vector<32xi32> to vector<32x1xi32>
    %slice3A_47 = vector.extract_strided_slice %ge3A_34 {offsets = [0, 24576], sizes = [32, 8192], strides = [1, 1]} : vector<32x32768xi1> to vector<32x8192xi1>
    %convert_element_type3A_48 = arith.extui %slice3A_47 : vector<32x8192xi1> to vector<32x8192xi32>
    %reduce_sum3A_49 = arith.constant dense<0> : vector<32xi32>
    %reduce_sum3A_50 = vector.multi_reduction <add>, %convert_element_type3A_48, %reduce_sum3A_49 [1] : vector<32x8192xi32> to vector<32xi32>
    %broadcast_in_dim3A_51 = vector.shape_cast %reduce_sum3A_50 : vector<32xi32> to vector<32x1xi32>
    %add3A_52 = arith.addi %broadcast_in_dim3A_36, %broadcast_in_dim3A_41 : vector<32x1xi32>
    %add3A_53 = arith.addi %broadcast_in_dim3A_46, %broadcast_in_dim3A_51 : vector<32x1xi32>
    %add3A_54 = arith.addi %add3A_52, %add3A_53 : vector<32x1xi32>
    %swap3A_55 = arith.constant 0 : index
    %swap3A_56 = arith.constant 0 : index
    %swap3A_57 = vector.load %arg4[%swap3A_55, %swap3A_56] : memref<32x1xi32, #tpu.memory_space<vmem>>, vector<32x1xi32>
    tpu.vector_store %arg4[%swap3A_55, %swap3A_56], %scan3A_30#0 {strides = array<i32>} : memref<32x1xi32, #tpu.memory_space<vmem>>, vector<32x1xi32>,
    %sub3A = arith.constant 256 : i32
    %sub3A_58 = vector.broadcast %sub3A : i32 to vector<32x1xi32>
    %sub3A_59 = arith.subi %sub3A_58, %add3A_54 : vector<32x1xi32>
    %swap3A_60 = arith.constant 0 : index
    %swap3A_61 = arith.constant 0 : index
    %swap3A_62 = vector.load %arg5[%swap3A_60, %swap3A_61] : memref<32x1xi32, #tpu.memory_space<vmem>>, vector<32x1xi32>
    tpu.vector_store %arg5[%swap3A_60, %swap3A_61], %sub3A_59 {strides = array<i32>} : memref<32x1xi32, #tpu.memory_space<vmem>>, vector<32x1xi32>,
    return
  }
  func.func @transform_0(%arg0: i32) -> (i32, i32) {
    %c0_i32 = arith.constant 0 : i32
    %c0_i32_0 = arith.constant 0 : i32
    return %arg0, %c0_i32 : i32, i32
  }
  func.func @transform_1(%arg0: i32) -> (i32, i32) {
    %c0_i32 = arith.constant 0 : i32
    %c0_i32_0 = arith.constant 0 : i32
    return %arg0, %c0_i32 : i32, i32
  }
  func.func @transform_2(%arg0: i32) -> (i32, i32) {
    %c0_i32 = arith.constant 0 : i32
    %c0_i32_0 = arith.constant 0 : i32
    return %arg0, %c0_i32 : i32, i32
  }
  func.func @transform_3(%arg0: i32) -> (i32, i32) {
    %c0_i32 = arith.constant 0 : i32
    %c0_i32_0 = arith.constant 0 : i32
    return %arg0, %c0_i32 : i32, i32
  }
  func.func @transform_4(%arg0: i32) -> (i32, i32) {
    %c0_i32 = arith.constant 0 : i32
    %c0_i32_0 = arith.constant 0 : i32
    return %arg0, %c0_i32 : i32, i32
  }
}

module attributes {stable_mosaic.version = 14 : i64} {
  func.func @_mask_kernel(%arg0: i32, %arg1: memref<32x32768xi32, #tpu.memory_space<vmem>>, %arg2: memref<32x1xi32, #tpu.memory_space<vmem>>, %arg3: memref<32x1xi32, #tpu.memory_space<vmem>>, %arg4: memref<32x32768xf32, #tpu.memory_space<vmem>>) attributes {dimension_semantics = [#tpu.dimension_semantics<arbitrary>], iteration_bounds = array<i64: 4>, scalar_prefetch = 0 : i64, scratch_operands = 0 : i64, tpu.core_type = #tpu.core_type<tc>, window_params = [{transform_indices = @transform_0, window_bounds = array<i64: 32, 32768>}, {transform_indices = @transform_1, window_bounds = array<i64: 32, 1>}, {transform_indices = @transform_2, window_bounds = array<i64: 32, 1>}, {transform_indices = @transform_3, window_bounds = array<i64: 32, 32768>}]} {
    %get3A = arith.constant 0 : index
    %get3A_0 = arith.constant 0 : index
    %get3A_1 = vector.load %arg1[%get3A, %get3A_0] : memref<32x32768xi32, #tpu.memory_space<vmem>>, vector<32x32768xi32>
    %get3A_2 = arith.constant 0 : index
    %get3A_3 = arith.constant 0 : index
    %get3A_4 = vector.load %arg2[%get3A_2, %get3A_3] : memref<32x1xi32, #tpu.memory_space<vmem>>, vector<32x1xi32>
    %get3A_5 = arith.constant 0 : index
    %get3A_6 = arith.constant 0 : index
    %get3A_7 = vector.load %arg3[%get3A_5, %get3A_6] : memref<32x1xi32, #tpu.memory_space<vmem>>, vector<32x1xi32>
    %iota3A = tpu.iota {dimensions = array<i32: 1>} : vector<32x32768xi32>
    %gt3A = vector.broadcast %get3A_4 : vector<32x1xi32> to vector<32x32768xi32>
    %gt3A_8 = arith.cmpi sgt, %get3A_1, %gt3A : vector<32x32768xi32>
    %eq3A = vector.broadcast %get3A_4 : vector<32x1xi32> to vector<32x32768xi32>
    %eq3A_9 = arith.cmpi eq, %get3A_1, %eq3A : vector<32x32768xi32>
    %le3A = vector.broadcast %get3A_7 : vector<32x1xi32> to vector<32x32768xi32>
    %le3A_10 = arith.cmpi sle, %iota3A, %le3A : vector<32x32768xi32>
    %and3A = arith.andi %eq3A_9, %le3A_10 : vector<32x32768xi1>
    %or3A = arith.ori %gt3A_8, %and3A : vector<32x32768xi1>
    %convert_element_type3A = arith.extui %or3A : vector<32x32768xi1> to vector<32x32768xi32>
    %convert_element_type3A_11 = arith.sitofp %convert_element_type3A : vector<32x32768xi32> to vector<32x32768xf32>
    %swap3A = arith.constant 0 : index
    %swap3A_12 = arith.constant 0 : index
    %swap3A_13 = vector.load %arg4[%swap3A, %swap3A_12] : memref<32x32768xf32, #tpu.memory_space<vmem>>, vector<32x32768xf32>
    tpu.vector_store %arg4[%swap3A, %swap3A_12], %convert_element_type3A_11 {strides = array<i32>} : memref<32x32768xf32, #tpu.memory_space<vmem>>, vector<32x32768xf32>,
    return
  }
  func.func @transform_0(%arg0: i32) -> (i32, i32) {
    %c0_i32 = arith.constant 0 : i32
    %c0_i32_0 = arith.constant 0 : i32
    return %arg0, %c0_i32 : i32, i32
  }
  func.func @transform_1(%arg0: i32) -> (i32, i32) {
    %c0_i32 = arith.constant 0 : i32
    %c0_i32_0 = arith.constant 0 : i32
    return %arg0, %c0_i32 : i32, i32
  }
  func.func @transform_2(%arg0: i32) -> (i32, i32) {
    %c0_i32 = arith.constant 0 : i32
    %c0_i32_0 = arith.constant 0 : i32
    return %arg0, %c0_i32 : i32, i32
  }
  func.func @transform_3(%arg0: i32) -> (i32, i32) {
    %c0_i32 = arith.constant 0 : i32
    %c0_i32_0 = arith.constant 0 : i32
    return %arg0, %c0_i32 : i32, i32
  }
}

</mosaic_0001>

<sc_bundles>
// kernel: kernel.5.cloned.1.call-start
scs
__scs_entry_jumppad:
0x0: {  	(pc) =	sbr.rel $0x88, $3  }
0x1: {  	(tag) =	ssettag $0x0;
	lr =	simm.s32 $0x1  }
0x2: {  	[smem:$0x3FA0] =	sst lr;
	_ =	strace $0xD0000000  }
0x3: {  	_ = 	snop  }
0x4: {  	_ = 	snop  }
0x5: {  	_ = 	snop  }
0x6: {  	_ = 	snop  }
0x7: {  	_ = 	snop  }
__scs_overlays_trampoline_lowered:
0x8: {  	[smem:$0x3FAF] =	sst s0  }
0x9: {  	[smem:$0x3FB0] =	sst s1  }
0xa: {  	[smem:$0x3FB1] =	sst s2  }
0xb: {  	[smem:$0x3FB2] =	sst s3  }
0xc: {  	[smem:$0x3FB3] =	sst s4  }
0xd: {  	[smem:$0x3FB4] =	sst s5  }
0xe: {  	[smem:$0x3FB5] =	sst s6  }
0xf: {  	[smem:$0x3FB6] =	sst s7  }
0x10: {  	[smem:$0x3FB7] =	sst s8  }
0x11: {  	[smem:$0x3FB8] =	sst s9;
	s0 =	simm.s32 @!p0 $0x0  }
0x12: {  	s1 =	sld [smem:$0x3F9E];
	s0 =	simm.s32 @p0 $0x1  }
0x13: {  	[smem:$0x3FB9] =	sst s0;
	s0 =	simm.s32 @!p1 $0x0  }
0x14: {  	s2 =	sld [smem:$0x3F9D];
	s0 =	simm.s32 @p1 $0x1  }
0x15: {  	[smem:$0x3FBA] =	sst s0;
	s0 =	simm.s32 @!p2 $0x0  }
0x16: {  	s3 =	sld [smem:$0x3FDB];
	s0 =	simm.s32 @p2 $0x1  }
0x17: {  	s4 =	simm.s32 $0x1BF5;
	[smem:$0x3FBC] =	sst s0  }
0x18: {  	s0 =	sld [smem:$0x3F9F];
	_ =	swait.ge [sflag:s4], $0x0  }
0x19: {  	s7 =	sld [smem:$0x3FA0]  }
0x1a: {  	s8 =	sadd.s32 $0xFFFFE003, lr  }
0x1b: {  	s9 =	sadd.s32 $0xFFFFFEF7, lr;
	s5 =	simm.s32 $0xFFFFFFFF;
	p2 =	slt.u32 s8, $0xFFFFF086  }
0x1c: {  	p1 =	slt.u32 s9, $0xF7A;
	s5 =	simm.s32 @!p2 $0x0  }
0x1d: {  	s5 =	simm.s32 @p1 $0x1;
	p0 =	seq.s32 s7, s2  }
0x1e: {  	s7 =	smul.u32 @!p0 $0xF7A, s2;
	p2 =	seq.s32 @!p0 s5, $0x0  }
0x1f: {  	s9 =	smul.u32 $0xF7A, s1;
	s8 =	simm.s32 @!p0 $0x1BF5;
	p2 =	por !p2, p0  }
0x20: {  	[sflag:s8] =	ssyncset.s32 @!p0 $0xFFFFF086;
	s6 =	sadd.s32 @!p0 s3, s7;
	s7 =	simm.s32 @!p0 $0x108  }
0x21: {  	s3 =	sadd.s32 s3, s9;
	s6 =	sadd.s32 @!p0 $0x88, s6;
	s7 =	simm.s32 @p2 $0x1082  }
0x22: {  	[simem:s7], [sflag:s8] =	dma.local @!p0 [hbm:s6], $0xF7A  }
0x23: {  	s9 =	sor.u32 $0xD0000000, s2;
	s6 =	simm.s32 $0x108;
	_ =	swait.ge @!p0 [sflag:s8], $0x0  }
0x24: {  	s3 =	sadd.s32 $0x88, s3;
	s6 =	simm.s32 @!p1 $0x1082;
	[sflag:s4] =	ssyncset.s32 $0xFFFFF086  }
0x25: {  	[simem:s6], [sflag:s4] =	dma.local [hbm:s3], $0xF7A  }
0x26: {  	[smem:$0x3FA0] =	sst s1;
	(tag) =	ssettag s2;
	_ =	strace s9  }
0x27: {  	s1 =	sld [smem:$0x3FB0]  }
0x28: {  	s2 =	sld [smem:$0x3FB1]  }
0x29: {  	s4 =	sld [smem:$0x3FB3]  }
0x2a: {  	p0 =	seq.s32 s5, $0x0;
	s5 =	sld [smem:$0x3FB4]  }
0x2b: {  	s6 =	sld [smem:$0x3FB5]  }
0x2c: {  	s7 =	sld [smem:$0x3FB6]  }
0x2d: {  	s3 =	simm.s32 $0x108;
	s8 =	sld [smem:$0x3FB7]  }
0x2e: {  	s3 =	simm.s32 @!p0 $0x1082;
	s9 =	sld [smem:$0x3FB8]  }
0x2f: {  	lr =	sadd.s32 s0, s3;
	s0 =	sld [smem:$0x3FAF]  }
0x30: {  	s3 =	sld [smem:$0x3FB2]  }
0x31: {  	[smem:$0x3FBB] =	sst s10  }
0x32: {  	s10 =	sld [smem:$0x3FB9];
	_ =	sdelay $0x3  }
0x33: {  	p0 =	seq.s32 s10, $0x1;
	s10 =	sld [smem:$0x3FBB];
	_ =	sdelay $0x3  }
0x34: {  	[smem:$0x3FBB] =	sst s10  }
0x35: {  	s10 =	sld [smem:$0x3FBA];
	_ =	sdelay $0x3  }
0x36: {  	p1 =	seq.s32 s10, $0x1;
	s10 =	sld [smem:$0x3FBB];
	_ =	sdelay $0x3  }
0x37: {  	[smem:$0x3FBB] =	sst s10  }
0x38: {  	s10 =	sld [smem:$0x3FBC]  }
0x39: {  	_ = 	snop;
	(pc) =	sbr.ind lr, $3  }
0x3a: {  	_ = 	snop  }
0x3b: {  	_ = 	snop  }
0x3c: {  	p2 =	seq.s32 s10, $0x1;
	s10 =	sld [smem:$0x3FBB]  }
0x3d: {  	_ =	shalt  }
0x3e: {  	_ =	shalt  }
0x3f: {  	_ =	shalt  }
0x40: {  	_ =	shalt  }
0x41: {  	_ =	shalt  }
0x42: {  	_ =	shalt  }
0x43: {  	_ =	shalt  }
0x44: {  	_ =	shalt  }
0x45: {  	_ =	shalt  }
0x46: {  	_ =	shalt  }
0x47: {  	_ =	shalt  }
0x48: {  	_ =	shalt  }
0x49: {  	_ =	shalt  }
0x4a: {  	_ =	shalt  }
0x4b: {  	_ =	shalt  }
0x4c: {  	_ =	shalt  }
0x4d: {  	_ =	shalt  }
0x4e: {  	_ =	shalt  }
0x4f: {  	_ =	shalt  }
0x50: {  	_ =	shalt  }
0x51: {  	_ =	shalt  }
0x52: {  	_ =	shalt  }
0x53: {  	_ =	shalt  }
0x54: {  	_ =	shalt  }
0x55: {  	_ =	shalt  }
0x56: {  	_ =	shalt  }
0x57: {  	_ =	shalt  }
0x58: {  	_ =	shalt  }
0x59: {  	_ =	shalt  }
0x5a: {  	_ =	shalt  }
0x5b: {  	_ =	shalt  }
0x5c: {  	_ =	shalt  }
0x5d: {  	_ =	shalt  }
0x5e: {  	_ =	shalt  }
0x5f: {  	_ =	shalt  }
0x60: {  	_ =	shalt  }
0x61: {  	_ =	shalt  }
0x62: {  	_ =	shalt  }
0x63: {  	_ =	shalt  }
0x64: {  	_ =	shalt  }
0x65: {  	_ =	shalt  }
0x66: {  	_ =	shalt  }
0x67: {  	_ =	shalt  }
0x68: {  	_ =	shalt  }
0x69: {  	_ =	shalt  }
0x6a: {  	_ =	shalt  }
0x6b: {  	_ =	shalt  }
0x6c: {  	_ =	shalt  }
0x6d: {  	_ =	shalt  }
0x6e: {  	_ =	shalt  }
0x6f: {  	_ =	shalt  }
0x70: {  	_ =	shalt  }
0x71: {  	_ =	shalt  }
0x72: {  	_ =	shalt  }
0x73: {  	_ =	shalt  }
0x74: {  	_ =	shalt  }
0x75: {  	_ =	shalt  }
0x76: {  	_ =	shalt  }
0x77: {  	_ =	shalt  }
0x78: {  	_ =	shalt  }
0x79: {  	_ =	shalt  }
0x7a: {  	_ =	shalt  }
0x7b: {  	_ =	shalt  }
0x7c: {  	_ =	shalt  }
0x7d: {  	_ =	shalt  }
0x7e: {  	_ =	shalt  }
0x7f: {  	_ =	shalt  }
0x80: {  	_ =	shalt  }
0x81: {  	_ =	shalt  }
0x82: {  	_ =	shalt  }
0x83: {  	_ =	shalt  }
0x84: {  	_ =	shalt  }
0x85: {  	_ =	shalt  }
0x86: {  	_ =	shalt  }
0x87: {  	_ =	shalt  }
.Lfunc_end0:
.L_simem_size_0:
called_computation_lowered:
.L_overlay_start_0:
0x88: {  	s2 =	sld [smem:$0x3FD9]  }
0x89: {  	s3 =	sld [smem:$0x3FFE];
	_ =	sdelay $0x1  }
0x8a: {  	s1 =	srdreg.scid  }
0x8b: {  	s0 =	sand.u32 $0x1, s1  }
0x8c: {  	s14 =	sshll.u32 s0, $0xA;
	s2 =	sadd.s32 s3, s2  }
0x8d: {  	s2 =	sadd.s32 s2, s14  }
0x8e: {  	[smem:$0x3FC7] =	sst s2  }
0x8f: {  	_ = 	snop  }
0x90: {  	s2 =	sld [smem:$0x3FD0];
	_ =	sdelay $0x2  }
0x91: {  	s15 =	simm.s32 $0xA;
	s4 =	simm.s32 $0x10  }
0x92: {  	[smem:s4], [sflag:s15] =	dma.local [hbm:s2], $0x1  }
0x93: {  	_ =	swait.eq [sflag:s15], $0x1  }
0x94: {  	[sflag:s15] =	ssyncset.done $0x0  }
0x95: {  	[sflag:s15] =	ssyncadd.s32 $0xFFFFFFFF  }
0x96: {  	s16 =	sld [smem:$0x10];
	(tm) =	ssettm $0x1  }
0x97: {  	s17 =	sld [smem:$0x3FFB];
	_ =	sdelay $0x3  }
0x98: {  	_ =	strace s17  }
0x99: {  	s3 =	sld [smem:$0x3FFC];
	_ =	sdelay $0x3  }
0x9a: {  	_ =	strace s3  }
0x9b: {  	s3 =	sld [smem:$0x3FFD];
	_ =	sdelay $0x3  }
0x9c: {  	_ =	strace s3  }
0x9d: {  	_ =	strace $0x8FFFFFFF  }
0x9e: {  	s18 =	sld [smem:$0x3FDB];
	_ =	sdelay $0x1  }
0x9f: {  	s19 =	simm.s32 $_scs_section_size  }
0xa0: {  	s5 =	simm.s32 $_size__tile_overlayer_lowered;
	s6 =	simm.s32 $_tile_overlayer_lowered  }
0xa1: {  	s22 =	simm.s32 $0x1BFF;
	s21 =	sshll.u32 s6, $0x1;
	s3 =	sadd.s32 s19, s18  }
0xa2: {  	s7 =	simm.s32 $0x0;
	s20 =	sshll.u32 s5, $0x1;
	s5 =	sadd.s32 s21, s3  }
0xa3: {  	[timem:s7], [sflag:s22] =	dma.local [hbm:s5], s20  }
0xa4: {  	_ =	swait.ge [sflag:s22], s20  }
0xa5: {  	s4 =	ssub.s32 $0x0, s20;
	[sflag:s22] =	ssyncset.done $0x0  }
0xa6: {  	[sflag:s22] =	ssyncadd.s32 s4;
	_ =	sdelay $0x1  }
0xa7: {  	s23 =	simm.s32 $0x1B8B  }
0xa8: {  	_ =	swait.ge [sflag:s23], $0x1  }
0xa9: {  	[sflag:s23] =	ssyncset.done $0x0  }
0xaa: {  	s25 =	simm.s32 $0x1B8E;
	s24 =	sld [smem:$0x3FFE];
	[sflag:s23] =	ssyncadd.s32 $0xFFFFFFFF  }
0xab: {  	s26 =	simm.s32 $execute0_lowered;
	[smem:$0x3FD2] =	sst s25  }
0xac: {  	s5 =	sshll.u32 s26, $0x1;
	_ =	strace $0x80000046;
	[dreg:$0x1] =	wrdreg $0xFFFFFFFF  }
0xad: {  	s28 =	simm.s32 $_size_execute0_lowered;
	s3 =	sadd.s32 s3, s5;
	[dreg:$0x0] =	wrdreg $0x0  }
0xae: {  	s5 =	sshll.u32 s28, $0x1;
	[dreg:$0x2] =	wrdreg s3  }
0xaf: {  	[dreg:$0x3] =	wrdreg s5  }
0xb0: {  	[dreg:$0x4] =	wrdreg $0xC0  }
0xb1: {  	_ =	task [dreg:s7], $0x5FFFF  }
0xb2: {  	[dreg:$0x1] =	wrdreg $0xFFFFFFFF  }
0xb3: {  	[dreg:$0x0] =	wrdreg $0x60  }
0xb4: {  	[dreg:$0x2] =	wrdreg s16  }
0xb5: {  	[dreg:$0x3] =	wrdreg s24  }
0xb6: {  	[dreg:$0x4] =	wrdreg $0x9  }
0xb7: {  	_ =	task.clear_ibuf [dreg:s7], $0x5FFFF;
	_ =	strace $0x90000046  }
0xb8: {  	s29 =	simm.s32 $0x9;
	_ =	strace $0x80000048  }
0xb9: {  	_ =	swait.ge [sflag:s29], $0x1  }
0xba: {  	[sflag:s29] =	ssyncadd.s32 $0xFFFFFFFF  }
0xbb: {  	_ =	strace $0x90000048  }
0xbc: {  	_ =	sfence  }
0xbd: {  	s30 =	sld [smem:$0x0];
	_ =	sdelay $0x2  }
0xbe: {  	s31 =	sshll.u32 s1, $0xD;
	s1 =	sshrl.u32 s1, $0x2  }
0xbf: {  	s3 =	sand.u32 $0x4000, s31;
	s1 =	sadd.s32 s1, s30  }
0xc0: {  	s0 =	sor.u32 s3, s0;
	s1 =	sshll.u32 s1, $0x11  }
0xc1: {  	s0 =	sor.u32 s1, s0  }
0xc2: {  	s0 =	sadd.s32 $0x8F2B, s0  }
0xc3: {  	[sflag:s0] =	ssyncadd.remote.s32 $0x1  }
0xc4: {  	_ =	sfence.sel $0xFFFF  }
0xc5: {  	[dreg:$0x0] =	wrdreg $0xFFFFFFFF;
	(pc) =	sbr.abs _section_cstart, $3  }
0xc6: {  	[dreg:$0x1] =	wrdreg $0xFFFFFFFF  }
0xc7: {  	_ =	task.clear_ibuf [dreg:s7], $0x2FFFF;
	_ =	strace $0x9FFFFFFF  }
0xc8: {  	(tm) =	ssettm $0x7FFFFFFF  }
0xc9: {  	_ =	shalt  }
tec
execute0_lowered:
.L_overlay_start_1:
0x0: {  	(tag) =	ssettag $0x1  }
0x1: {  	s3 =	rddreg [dreg:$0x0]  }
0x2: {  	s4 =	rddreg [dreg:$0x1]  }
0x3: {  	s0 =	rddreg [dreg:$0x2];
	s5 =	srdreg.scid;
	s2 =	simm.s32 $0x0  }
0x4: {  	s1 =	stileid.u32;
	s8 =	simm.s32 $0x18100;
	s9 =	simm.s32 $0x1  }
0x5: {  	s10 =	simm.s32 $0x80;
	s11 =	simm.s32 $0x400;
	s12 =	simm.s32 $0x8000  }
0x6: {  	s13 =	simm.s32 $0x10080;
	s14 =	simm.s32 $0x0;
	s5 =	sand.u32 $0x1, s5  }
0x7: {  	[smem:$0x7FF] =	sst s2;
	s6 =	sshll.u32 s1, $0x5;
	s31 =	sshll.u32 s1, $0xF  }
.Ltmp0:
0x8: {  	s7 =	sshll.u32 s5, $0x4;
	_ =	strace $0x80000047;
	(pc) =	sbr.rel .LBB2_1-.Ltmp0, $4  }
0x9: {  	s29 =	ssub.s32 $0x2, s5;
	s5 =	sshll.u32 s5, $0x6;
	s6 =	sor.u32 s7, s6  }
0xa: {  	s30 =	sshrl.u32 s29, $0x1;
	s5 =	sadd.s32 s3, s5;
	s6 =	sadd.s32 s6, s4  }
0xb: {  	s7 =	ssub.s32 s29, s30;
	s4 =	sadd.s32 s31, s5;
	s3 =	sadd.s32 $0x400, s6  }
0xc: {  	v0 =	vlaneseq.u32;
	v1 =	vimm.s32 $0x0;
	v2 =	vimm.s32 $0xFFFFFFFF;
	s5 =	sadd.s32 $0x800, s6;
	s6 =	sadd.s32 $0x600, s6;
	s7 =	smax.u32 s7, $0x1  }
.LBB2_24:
0xd: {  	[tilespmem:$0x18100] =	vst v5  }
0xe: {  	[hbm4b:s5+s2] =	stream.linear.scatter [tilespmem:s8], [sflag:$0x1], $0x80, $0x38;
	[tilespmem:$0x18180] =	vst v63  }
0xf: {  	_ =	swait.ge [sflag:s9], $0x80  }
0x10: {  	s14 =	sadd.s32 $0x1, s14;
	[sflag:s9] =	ssyncset.done $0x0  }
0x11: {  	p0 =	sne.s32 s14, s7;
	[sflag:s9] =	ssyncadd.s32 $0xFFFFFF80  }
.Ltmp1:
0x12: {  	[tilespmem:$0x18100] =	vst v3;
	(pc) =	sbr.rel @!p0 .LBB2_25-.Ltmp1, $4  }
0x13: {  	[hbm4b:s6+s2] =	stream.linear.scatter [tilespmem:s8], [sflag:$0x1], $0x80, $0x38;
	[tilespmem:$0x18180] =	vst v63  }
0x14: {  	_ =	swait.ge [sflag:s9], $0x80  }
0x15: {  	[sflag:s9] =	ssyncset.done $0x0  }
0x16: {  	[sflag:s9] =	ssyncadd.s32 $0xFFFFFF80  }
.LBB2_1:
0x17: {  	[tilespmem:s8], [sflag:$0x1] =	stream.linear.gather [hbm4b:s3+s2], $0x80, $0x38;
	[tilespmem:$0x18180] =	vst v63  }
0x18: {  	_ =	swait.ge [sflag:s9], $0x80  }
0x19: {  	[sflag:s9] =	ssyncset.done $0x0  }
0x1a: {  	[sflag:s9] =	ssyncadd.s32 $0xFFFFFF80  }
0x1b: {  	v3 =	vld [tilespmem:$0x18100]  }
.Ltmp2:
0x1c: {  	_ = 	snop;
	(pc) =	sbr.rel .LBB2_2-.Ltmp2, $2  }
0x1d: {  	_ =	sdelay $0x2  }
0x1e: {  	v5 =	vimm.s32 $0x0;
	s15 =	simm.s32 $0x0;
	v4 =	vxor.u32 $0x80000000, v3;
	v3 =	vimm.s32 $0x0  }
.LBB2_11:
0x1f: {  	v7 =	vimm.s32 $0x80000000  }
.LBB2_23:
0x20: {  	(xrf0) =	vmax.scan.msk.u32 $0xffff, v7;
	_ =	sdelay $0x5  }
0x21: {  	v7, _, _ =	vpop (xrf0)  }
0x22: {  	(v2sf) =	vpush v7, $0xF;
	_ =	sdelay $0xa  }
0x23: {  	s15 =	sadd.s32 $0x1, s15  }
0x24: {  	p0 =	sne.s32 s15, $0x4  }
.Ltmp3:
0x25: {  	_ = 	snop;
	(pc) =	sbr.rel @!p0 .LBB2_24-.Ltmp3, $4  }
0x26: {  	_ = 	snop  }
0x27: {  	s16 =	spop (v2sf)  }
0x28: {  	s16 =	sxor.u32 $0x80000000, s16  }
0x29: {  	v5 =	vsel vm0, v6, v5;
	v3 =	vsel vm0, s16, v3  }
.LBB2_2:
0x2a: {  	s16 =	sshll.u32 s15, $0x4  }
0x2b: {  	v6 =	vmov s15;
	s16 =	sadd.s32 s16, s4  }
0x2c: {  	vm0 =	veq.s32 v6, v0;
	[tilespmem:s2], [sflag:$0x1] =	stream.strided.gather [hbm4b:s16+s10], $0x8000, s11, s10, $0x38;
	[tilespmem:$0x18180] =	vst v63  }
0x2d: {  	v6 =	vnsel vm0, $0x80000000, v4;
	_ =	swait.ge [sflag:s9], $0x8000  }
0x2e: {  	(xrf0) =	vmax.scan.msk.u32 $0xffff, v6;
	_ =	sdelay $0x5  }
0x2f: {  	v6, _, _ =	vpop (xrf0)  }
0x30: {  	(v2sf) =	vpush v6, $0xF;
	_ =	sdelay $0xe  }
0x31: {  	s31 =	spop (v2sf)  }
0x32: {  	s16 =	sxor.u32 $0x80000000, s31  }
0x33: {  	[sflag:s9] =	ssyncset.done $0x0;
	s17 =	sshra.s32 s16, $0x12  }
0x34: {  	v7 =	vimm.s32 $0x0;
	s18 =	simm.s32 $0x40;
	[sflag:s9] =	ssyncadd.s32 $0xFFFF8000;
	v6 =	vmov s17;
	s17 =	simm.s32 $0x70  }
.LBB2_3:
0x35: {  	v8 =	vld [tilespmem:s18+$0xFFFFFFC0];
	_ =	sdelay $0x4  }
0x36: {  	v9 =	vshra.s32 v8, $0x12  }
0x37: {  	vm1 =	veq.s32 v9, v6  }
0x38: {  	v9 =	vsel vm1, $0x1, v1  }
0x39: {  	(xrf0) =	vadd.scan.msk.s32 $0xffff, v9;
	_ =	sdelay $0x5  }
0x3a: {  	v9, _, _ =	vpop (xrf0)  }
0x3b: {  	v9 =	vadd.s32 v9, v7  }
0x3c: {  	v9 =	vadd.s32 $0xFFFFFFFF, v9;
	_ =	sdelay $0x3  }
0x3d: {  	s19 =	sadd.s32 $0xFFFFFF90, s17  }
0x3e: {  	[tilespmem:v9+s12+$0x0] =	vst.idx.msk vm1, v8;
	v8 =	vor.u32 s19, v0  }
0x3f: {  	[tilespmem:v9+s13+$0x0] =	vst.idx.msk vm1, v8  }
0x40: {  	v8 =	vld [tilespmem:s18+$0xFFFFFFD0];
	_ =	sdelay $0x4  }
0x41: {  	v43 =	vshra.s32 v8, $0x12  }
0x42: {  	vm2 =	veq.s32 v43, v6  }
0x43: {  	v9 =	vsel vm2, $0x1, v1  }
0x44: {  	(xrf0) =	vadd.scan.msk.s32 $0xffff, v9;
	_ =	sdelay $0x3  }
0x45: {  	v44 =	vmpcnt.ones.xlane vm1;
	_ =	sdelay $0x1  }
0x46: {  	v7 =	vadd.s32 v7, v44;
	v45, _, _ =	vpop (xrf0)  }
0x47: {  	v9 =	vadd.s32 v45, v7  }
0x48: {  	v9 =	vadd.s32 $0xFFFFFFFF, v9;
	_ =	sdelay $0x3  }
0x49: {  	s25 =	sadd.s32 $0xFFFFFFA0, s17  }
0x4a: {  	[tilespmem:v9+s12+$0x0] =	vst.idx.msk vm2, v8;
	v8 =	vor.u32 s25, v0  }
0x4b: {  	[tilespmem:v9+s13+$0x0] =	vst.idx.msk vm2, v8  }
0x4c: {  	v8 =	vld [tilespmem:s18+$0xFFFFFFE0];
	_ =	sdelay $0x4  }
0x4d: {  	v46 =	vshra.s32 v8, $0x12  }
0x4e: {  	vm1 =	veq.s32 v46, v6  }
0x4f: {  	v9 =	vsel vm1, $0x1, v1  }
0x50: {  	(xrf0) =	vadd.scan.msk.s32 $0xffff, v9;
	_ =	sdelay $0x3  }
0x51: {  	v47 =	vmpcnt.ones.xlane vm2;
	_ =	sdelay $0x1  }
0x52: {  	v7 =	vadd.s32 v7, v47;
	v48, _, _ =	vpop (xrf0)  }
0x53: {  	v9 =	vadd.s32 v48, v7  }
0x54: {  	v9 =	vadd.s32 $0xFFFFFFFF, v9;
	_ =	sdelay $0x3  }
0x55: {  	s26 =	sadd.s32 $0xFFFFFFB0, s17  }
0x56: {  	[tilespmem:v9+s12+$0x0] =	vst.idx.msk vm1, v8;
	v8 =	vor.u32 s26, v0  }
0x57: {  	[tilespmem:v9+s13+$0x0] =	vst.idx.msk vm1, v8  }
0x58: {  	v8 =	vld [tilespmem:s18+$0xFFFFFFF0];
	_ =	sdelay $0x4  }
0x59: {  	v49 =	vshra.s32 v8, $0x12  }
0x5a: {  	vm2 =	veq.s32 v49, v6  }
0x5b: {  	v9 =	vsel vm2, $0x1, v1  }
0x5c: {  	(xrf0) =	vadd.scan.msk.s32 $0xffff, v9;
	_ =	sdelay $0x3  }
0x5d: {  	v50 =	vmpcnt.ones.xlane vm1;
	_ =	sdelay $0x1  }
0x5e: {  	v7 =	vadd.s32 v7, v50;
	v51, _, _ =	vpop (xrf0)  }
0x5f: {  	v9 =	vadd.s32 v51, v7  }
0x60: {  	v9 =	vadd.s32 $0xFFFFFFFF, v9;
	_ =	sdelay $0x3  }
0x61: {  	s28 =	sadd.s32 $0xFFFFFFC0, s17  }
0x62: {  	[tilespmem:v9+s12+$0x0] =	vst.idx.msk vm2, v8;
	v8 =	vor.u32 s28, v0  }
0x63: {  	[tilespmem:v9+s13+$0x0] =	vst.idx.msk vm2, v8  }
0x64: {  	v8 =	vld [tilespmem:s18+$0x0];
	_ =	sdelay $0x4  }
0x65: {  	v52 =	vshra.s32 v8, $0x12  }
0x66: {  	vm1 =	veq.s32 v52, v6  }
0x67: {  	v9 =	vsel vm1, $0x1, v1  }
0x68: {  	(xrf0) =	vadd.scan.msk.s32 $0xffff, v9;
	_ =	sdelay $0x3  }
0x69: {  	v53 =	vmpcnt.ones.xlane vm2;
	_ =	sdelay $0x1  }
0x6a: {  	v7 =	vadd.s32 v7, v53;
	v54, _, _ =	vpop (xrf0)  }
0x6b: {  	v9 =	vadd.s32 v54, v7  }
0x6c: {  	v9 =	vadd.s32 $0xFFFFFFFF, v9;
	_ =	sdelay $0x3  }
0x6d: {  	s29 =	sadd.s32 $0xFFFFFFD0, s17  }
0x6e: {  	[tilespmem:v9+s12+$0x0] =	vst.idx.msk vm1, v8;
	v8 =	vor.u32 s29, v0  }
0x6f: {  	[tilespmem:v9+s13+$0x0] =	vst.idx.msk vm1, v8  }
0x70: {  	v8 =	vld [tilespmem:s18+$0x10];
	_ =	sdelay $0x4  }
0x71: {  	v55 =	vshra.s32 v8, $0x12  }
0x72: {  	vm2 =	veq.s32 v55, v6  }
0x73: {  	v9 =	vsel vm2, $0x1, v1  }
0x74: {  	(xrf0) =	vadd.scan.msk.s32 $0xffff, v9;
	_ =	sdelay $0x3  }
0x75: {  	v56 =	vmpcnt.ones.xlane vm1;
	_ =	sdelay $0x1  }
0x76: {  	v7 =	vadd.s32 v7, v56;
	v57, _, _ =	vpop (xrf0)  }
0x77: {  	v9 =	vadd.s32 v57, v7  }
0x78: {  	v9 =	vadd.s32 $0xFFFFFFFF, v9;
	_ =	sdelay $0x3  }
0x79: {  	s30 =	sadd.s32 $0xFFFFFFE0, s17  }
0x7a: {  	[tilespmem:v9+s12+$0x0] =	vst.idx.msk vm2, v8;
	v8 =	vor.u32 s30, v0  }
0x7b: {  	[tilespmem:v9+s13+$0x0] =	vst.idx.msk vm2, v8  }
0x7c: {  	v8 =	vld [tilespmem:s18+$0x20];
	_ =	sdelay $0x4  }
0x7d: {  	v58 =	vshra.s32 v8, $0x12  }
0x7e: {  	vm1 =	veq.s32 v58, v6  }
0x7f: {  	v9 =	vsel vm1, $0x1, v1  }
0x80: {  	(xrf0) =	vadd.scan.msk.s32 $0xffff, v9;
	_ =	sdelay $0x3  }
0x81: {  	v59 =	vmpcnt.ones.xlane vm2;
	_ =	sdelay $0x1  }
0x82: {  	v7 =	vadd.s32 v7, v59;
	v60, _, _ =	vpop (xrf0)  }
0x83: {  	v9 =	vadd.s32 v60, v7  }
0x84: {  	v9 =	vadd.s32 $0xFFFFFFFF, v9;
	_ =	sdelay $0x3  }
0x85: {  	s31 =	sadd.s32 $0xFFFFFFF0, s17  }
0x86: {  	[tilespmem:v9+s12+$0x0] =	vst.idx.msk vm1, v8;
	v8 =	vor.u32 s31, v0  }
0x87: {  	[tilespmem:v9+s13+$0x0] =	vst.idx.msk vm1, v8  }
0x88: {  	v8 =	vld [tilespmem:s18+$0x30];
	_ =	sdelay $0x4  }
0x89: {  	v61 =	vshra.s32 v8, $0x12  }
0x8a: {  	vm2 =	veq.s32 v61, v6  }
0x8b: {  	v9 =	vsel vm2, $0x1, v1  }
0x8c: {  	(xrf0) =	vadd.scan.msk.s32 $0xffff, v9;
	_ =	sdelay $0x3  }
0x8d: {  	v62 =	vmpcnt.ones.xlane vm1;
	_ =	sdelay $0x1  }
0x8e: {  	v7 =	vadd.s32 v7, v62;
	v63, _, _ =	vpop (xrf0)  }
0x8f: {  	v9 =	vadd.s32 v63, v7  }
0x90: {  	v9 =	vadd.s32 $0xFFFFFFFF, v9  }
0x91: {  	p0 =	sne.s32 s17, $0x7FF0  }
.Ltmp4:
0x92: {  	_ = 	snop;
	(pc) =	sbr.rel @p0 .LBB2_3-.Ltmp4, $4  }
0x93: {  	_ = 	snop  }
0x94: {  	v10 =	vmpcnt.ones.xlane vm2  }
0x95: {  	[tilespmem:v9+s12+$0x0] =	vst.idx.msk vm2, v8;
	v8 =	vor.u32 s17, v0  }
0x96: {  	s18 =	sadd.s32 $0x80, s18;
	v7 =	vadd.s32 v7, v10;
	s17 =	sadd.s32 $0x80, s17;
	[tilespmem:v9+s13+$0x0] =	vst.idx.msk vm2, v8  }
0x97: {  	s17 =	sor.u32 $0x4, s15  }
0x98: {  	v6 =	vmov s17  }
0x99: {  	vm1 =	veq.s32 v6, v0  }
0x9a: {  	v6 =	vnsel vm1, $0x80000000, v4  }
0x9b: {  	(xrf0) =	vmax.scan.msk.u32 $0xffff, v6;
	v6 =	vxor.u32 $0x80000000, v7  }
0x9c: {  	(xrf0) =	vmax.scan.msk.u32 $0xffff, v6;
	_ =	sdelay $0x4  }
0x9d: {  	v6, _, _ =	vpop (xrf0)  }
0x9e: {  	(v2sf) =	vpush v6, $0xF;
	v6, _, _ =	vpop (xrf0)  }
0x9f: {  	(v2sf) =	vpush v6, $0xF;
	_ =	sdelay $0xd  }
0xa0: {  	s29 =	spop (v2sf)  }
0xa1: {  	s18 =	spop (v2sf)  }
0xa2: {  	s19 =	sxor.u32 $0x80000000, s18  }
0xa3: {  	v6 =	vadd.s32 s19, v0  }
.Ltmp5:
0xa4: {  	_ = 	snop;
	(pc) =	sbr.rel .LBB2_5-.Ltmp5, $4  }
0xa5: {  	_ = 	snop  }
0xa6: {  	s30 =	sxor.u32 $0x80000000, s29;
	s31 =	sadd.s32 $0x8000000F, s18  }
0xa7: {  	v8 =	vmov s30;
	s17 =	sshra.s32 s31, $0x4  }
0xa8: {  	s18 =	simm.s32 $0x20000;
	vm1 =	vgt.s32 v8, $0x0;
	p0 =	slt.s32 s17, $0x1;
	[tilespmem:v6+s12+$0x0] =	vst.idx.msk $0xffff, v2;
	v6 =	vmov s16;
	s16 =	simm.s32 $0x0  }
.LBB2_10:
0xa9: {  	s16 =	sadd.s32 $0x1, s16  }
0xaa: {  	p1 =	seq.s32 s16, $0x12  }
.Ltmp6:
0xab: {  	_ = 	snop;
	(pc) =	sbr.rel @p1 .LBB2_11-.Ltmp6, $2  }
0xac: {  	_ =	sdelay $0x2  }
0xad: {  	v6 =	vsel vm1, v6, v7  }
.LBB2_9:
0xae: {  	s18 =	sshrl.u32 s18, $0x1  }
.LBB2_5:
.Ltmp7:
0xaf: {  	(pc) =	sbr.rel @p0 .LBB2_10-.Ltmp7, $2  }
0xb0: {  	_ =	sdelay $0x2  }
0xb1: {  	v7 =	vadd.s32 s18, v6  }
0xb2: {  	s19 =	simm.s32 $0x8000  }
0xb3: {  	p2 =	sne.s32 s17, $0x1;
	v10 =	vld [tilespmem:s19+$0x0]  }
.Ltmp8:
0xb4: {  	_ = 	snop;
	(pc) =	sbr.rel @!p2 .LBB2_8-.Ltmp8, $2  }
0xb5: {  	_ =	sdelay $0x2  }
0xb6: {  	v9 =	vimm.s32 $0x0;
	s20 =	simm.s32 $0x8010;
	s19 =	sadd.s32 $0xFFFFFFFF, s17;
	vm2 =	vge.s32 v10, v7  }
.LBB2_7:
0xb7: {  	v10 =	vld [tilespmem:s20+$0x0];
	p1 =	sne.s32 s19, $0x1;
	s19 =	sadd.s32 $0xFFFFFFFF, s19;
	v11 =	vmpcnt.ones.xlane vm2  }
.Ltmp9:
0xb8: {  	(pc) =	sbr.rel @p1 .LBB2_7-.Ltmp9, $2  }
0xb9: {  	v9 =	vadd.s32 v9, v11;
	_ =	sdelay $0x2  }
0xba: {  	s20 =	sadd.s32 $0x10, s20;
	vm2 =	vge.s32 v10, v7  }
.LBB2_8:
0xbb: {  	s16 =	sadd.s32 $0x1, s16  }
0xbc: {  	p1 =	seq.s32 s16, $0x12  }
.Ltmp10:
0xbd: {  	v10 =	vmpcnt.ones.xlane vm2;
	(pc) =	sbr.rel @!p1 .LBB2_9-.Ltmp10, $4  }
0xbe: {  	_ = 	snop  }
0xbf: {  	v9 =	vadd.s32 v9, v10  }
0xc0: {  	vm2 =	vlt.s32 v9, v8  }
0xc1: {  	v6 =	vsel vm2, v6, v7  }
0xc2: {  	s16 =	simm.s32 $0x8000  }
0xc3: {  	v10 =	vld [tilespmem:s16+$0x0]  }
.Ltmp11:
0xc4: {  	_ = 	snop;
	(pc) =	sbr.rel @!p2 .LBB2_14-.Ltmp11, $3  }
0xc5: {  	_ =	sdelay $0x1  }
0xc6: {  	v9 =	vadd.s32 $0x1, v6  }
0xc7: {  	v7 =	vimm.s32 $0x0;
	s18 =	sadd.s32 $0xFFFFFFFF, s17;
	s19 =	simm.s32 $0x8010;
	vm1 =	vge.s32 v10, v9;
	v10 =	vimm.s32 $0x0  }
.LBB2_13:
0xc8: {  	v11 =	vld [tilespmem:s19+$0x0];
	p0 =	sne.s32 s18, $0x1;
	s18 =	sadd.s32 $0xFFFFFFFF, s18;
	v12 =	vmpcnt.ones.xlane vm1  }
.Ltmp12:
0xc9: {  	(pc) =	sbr.rel @p0 .LBB2_13-.Ltmp12, $2  }
0xca: {  	v10 =	vadd.s32 v10, v12;
	_ =	sdelay $0x2  }
0xcb: {  	s19 =	sadd.s32 $0x10, s19;
	vm1 =	vge.s32 v11, v9  }
.LBB2_14:
0xcc: {  	v9 =	vld [tilespmem:s16+$0x0]  }
.Ltmp13:
0xcd: {  	_ = 	snop;
	(pc) =	sbr.rel @!p2 .LBB2_15-.Ltmp13, $3  }
0xce: {  	v11 =	vmpcnt.ones.xlane vm1;
	_ =	sdelay $0x1  }
0xcf: {  	s16 =	simm.s32 $0x10080;
	s17 =	sadd.s32 $0xFFFFFFFF, s17;
	v10 =	vadd.s32 v10, v11  }
0xd0: {  	s18 =	simm.s32 $0x8010;
	p0 =	por $0x0, $0x0;
	p1 =	por $0x0, $0x0;
	v8 =	vsub.s32 v8, v10;
	vm1 =	veq.s32 v9, v6  }
0xd1: {  	v9 =	vld [tilespmem:s18+$0x0];
	p2 =	sne.s32 s17, $0x1  }
.Ltmp14:
0xd2: {  	_ = 	snop;
	(pc) =	sbr.rel @!p2 .LBB2_17-.Ltmp14, $3  }
0xd3: {  	_ =	sdelay $0x1  }
0xd4: {  	v10 =	vsel vm1, $0x1, v1  }
0xd5: {  	vm2 =	vmmov vm1;
	s18 =	sadd.s32 $0xFFFFFFFF, s17;
	s17 =	simm.s32 $0x8020;
	v11 =	vld [tilespmem:s16+$0x0];
	p0 =	por $0x1, $0x1;
	(xrf0) =	vadd.scan.msk.s32 $0xffff, v10;
	vm1 =	veq.s32 v9, v6  }
0xd6: {  	_ =	sdelay $0x3  }
0xd7: {  	v9 =	vld [tilespmem:s17+$0x0];
	v13 =	vsel vm1, $0x1, v1;
	p2 =	sne.s32 s18, $0x1  }
.Ltmp15:
0xd8: {  	v10, _, _ =	vpop (xrf0);
	(xrf0) =	vadd.scan.msk.s32 $0xffff, v13;
	(pc) =	sbr.rel @!p2 .LBB2_19-.Ltmp15, $4  }
0xd9: {  	v10 =	vadd.s32 v7, v10  }
0xda: {  	vm3 =	vmmov vm2;
	vm2 =	vmmov vm1;
	vm1 =	veq.s32 v10, v8  }
0xdb: {  	s17 =	simm.s32 $0x10090;
	v12 =	vmpcnt.ones.xlane vm3;
	v13 =	vimm.s32 $0x0;
	vm4 =	vmand vm3, vm1  }
0xdc: {  	s18 =	sadd.s32 $0xFFFFFFFF, s18;
	s19 =	simm.s32 $0x8030;
	p1 =	por $0x1, $0x1;
	v14 =	vld [tilespmem:s17+$0x0];
	vm1 =	veq.s32 v9, v6;
	v9 =	vimm.s32 $0x0;
	v10 =	vnsel vm4, $0x0, v11  }
.LBB2_20:
0xdd: {  	v11 =	vld [tilespmem:s19+$0x0];
	p2 =	sne.s32 s18, $0x1;
	s18 =	sadd.s32 $0xFFFFFFFF, s18;
	v15 =	vsel vm1, $0x1, v1;
	v9 =	vadd.s32 v9, v10;
	vm3 =	vmmov vm2  }
.Ltmp16:
0xde: {  	vm2 =	vmmov vm1;
	(xrf0) =	vadd.scan.msk.s32 $0xffff, v15;
	v10, _, _ =	vpop (xrf0);
	v13 =	vadd.s32 v13, v12;
	(pc) =	sbr.rel @p2 .LBB2_20-.Ltmp16, $4  }
0xdf: {  	v10 =	vadd.s32 v13, v10  }
0xe0: {  	vm1 =	veq.s32 v10, v8  }
0xe1: {  	s17 =	sadd.s32 $0x10, s17;
	vm4 =	vmand vm3, vm1  }
0xe2: {  	s19 =	sadd.s32 $0x10, s19;
	v12 =	vmpcnt.ones.xlane vm3;
	vm1 =	veq.s32 v11, v6;
	v10 =	vnsel vm4, $0x0, v14;
	v14 =	vld [tilespmem:s17+$0x0]  }
0xe3: {  	_ =	sdelay $0x3  }
0xe4: {  	v11 =	vmov v14  }
.LBB2_22:
0xe5: {  	v14 =	vsel vm1, $0x1, v1  }
0xe6: {  	(xrf0) =	vadd.scan.msk.s32 $0xffff, v14  }
0xe7: {  	vm2 =	vmmov @p0 vm2;
	v12 =	vadd.s32 @p1 v13, v12  }
0xe8: {  	v13, _, _ =	vpop @p0 (xrf0);
	v12 =	vpsel p1, v12, v7;
	v14 =	vmpcnt.ones.xlane @p0 vm2  }
0xe9: {  	s17 =	sadd.s32 @p0 $0x10, s17;
	v13 =	vadd.s32 @p0 v12, v13  }
0xea: {  	s16 =	smov.u32 @p0 s17;
	vm3 =	veq.s32 @p0 v13, v8;
	v13 =	vpsel p0, v14, v0  }
0xeb: {  	v9 =	vadd.s32 @p1 v9, v10;
	v61 =	vld [tilespmem:s16+$0x0];
	v12 =	vadd.s32 @p0 v12, v13  }
0xec: {  	vm1 =	vmmov vm1;
	vm2 =	vmand @p0 vm2, vm3;
	v12 =	vpsel p0, v12, v7;
	v62, _, _ =	vpop (xrf0)  }
0xed: {  	v9 =	vpsel p1, v9, v7;
	v10 =	vnsel @p0 vm2, $0x0, v11;
	v11 =	vadd.s32 v12, v62  }
.Ltmp17:
0xee: {  	vm1 =	vmmov vm1;
	v10 =	vpsel p0, v10, v0;
	vm2 =	veq.s32 v11, v8;
	(pc) =	sbr.rel .LBB2_23-.Ltmp17, $4  }
0xef: {  	v8 =	vadd.s32 @p0 v9, v10;
	vm1 =	vmand vm1, vm2  }
0xf0: {  	v7 =	vpsel p0, v8, v7;
	v63 =	vnsel vm1, $0x0, v61  }
0xf1: {  	v7 =	vadd.s32 v7, v63  }
0xf2: {  	v7 =	vxor.u32 $0x80000000, v7  }
.LBB2_15:
.Ltmp18:
0xf3: {  	(pc) =	sbr.rel .LBB2_22-.Ltmp18, $2  }
0xf4: {  	_ =	sdelay $0x2  }
0xf5: {  	v9 =	vimm.s32 $0x0;
	v13 =	vimm.s32 $0x0;
	s17 =	simm.s32 $0x10080  }
.LBB2_17:
.Ltmp19:
0xf6: {  	(pc) =	sbr.rel .LBB2_22-.Ltmp19, $2  }
0xf7: {  	_ =	sdelay $0x2  }
0xf8: {  	v9 =	vimm.s32 $0x0;
	v13 =	vimm.s32 $0x0;
	s17 =	simm.s32 $0x10080  }
.LBB2_19:
.Ltmp20:
0xf9: {  	_ = 	snop;
	(pc) =	sbr.rel .LBB2_22-.Ltmp20, $2  }
0xfa: {  	_ =	sdelay $0x2  }
0xfb: {  	v9 =	vimm.s32 $0x0;
	v13 =	vimm.s32 $0x0;
	v11 =	vmov v14  }
.LBB2_25:
0xfc: {  	_ =	sfence.sel $0x180000  }
0xfd: {  	[bflag:$0x0] =	sbarrier.arrive $0xFFFF  }
0xfe: {  	p0 =	sne.s32 s1, $0x0;
	_ =	strace $0x90000047  }
0xff: {  	s0 =	sadd.s32 @!p0 $0x100000, s0;
	[bflag:$0x2] =	sbarrier.arrive $0xFFFF  }
0x100: {  	[sflag:s0] =	ssyncadd.tile.s32 @!p0 $0x1;
	_ =	shalt  }
.Lfunc_end2:
_tile_overlayer_lowered:
.L_overlay_start_2:
0x101: {  	(tag) =	ssettag $0x2  }
0x102: {  	s0 =	rddreg [dreg:$0x0];
	s2 =	stileid.u32  }
0x103: {  	s1 =	rddreg [dreg:$0x1];
	p0 =	sne.s32 s2, $0x0  }
0x104: {  	s3 =	rddreg [dreg:$0x2];
	[bflag:$0x3] =	sbarrier.arrive $0xFFFF;
	s2 =	simm.s32 @!p0 $0x1C01  }
0x105: {  	[timem:s3], [sflag:s2] =	dma.local @!p0 [hbm:s0], s1  }
0x106: {  	s0 =	simm.s32 @!p0 $0x1  }
0x107: {  	_ =	swait.ge @!p0 [sflag:s0], s1  }
0x108: {  	s1 =	ssub.s32 @!p0 $0x0, s1;
	[sflag:s0] =	ssyncset.done @!p0 $0x0  }
0x109: {  	[sflag:s0] =	ssyncadd.s32 @!p0 s1  }
0x10a: {  	[bflag:$0x3] =	sbarrier.arrive $0xFFFF  }
0x10b: {  	_ =	shalt  }

</sc_bundles>
